<compile_context>
chip_gen: v7x
topology: tpu7x:2x2x1
jax: 0.10.2.dev20260603
libtpu: 0.0.44.dev20260713+nightly
codegen_flags: <defaults>
</compile_context>

<pallas_src>
import jax
import jax.numpy as jnp
from jax import lax
from jax.experimental import pallas as pl
from jax.experimental.pallas import tpu as pltpu
from jax.experimental.pallas import tpu_sc as plsc

_B = 16
_H = 512
_W = 512
_OFF = 5
_IMG = _H * _W
_HALF = _IMG // 2
_CHUNK = 32768
_NC1 = _IMG // _CHUNK
_NC2 = _HALF // _CHUNK
_VECS = _CHUNK // 16
_VPR = _W // 16
_PAIRS = float(_H * (_W - _OFF))


def _lane_reduce(vec, op):
    a = vec[0]
    for i in range(1, 16):
        a = op(a, vec[i])
    return a


def _glcm_body(x_hbm, out_hbm, bufa, bufb, mask, stage, mm, mm_peer, sh_mm,
               sema, semb):
    c = lax.axis_index("c")
    s = lax.axis_index("s")
    img = c * 8 + lax.div(s, 2)
    half = lax.rem(s, 2)
    row = c * 16 + s
    lanes = lax.iota(jnp.int32, 16)

    img_base = img * _IMG
    half_base = img_base + half * _HALF
    bufs = [bufa, bufb]
    sems = [sema, semb]

    bufa[pl.ds(_CHUNK, 16)] = jnp.zeros((16,), jnp.float32)
    bufb[pl.ds(_CHUNK, 16)] = jnp.zeros((16,), jnp.float32)

    def mk_mask(j, _):
        col = j * 16 + lanes
        mask[pl.ds(j * 16, 16)] = jnp.where(col < (_W - _OFF),
                                            jnp.int32(-1), jnp.int32(0))
        return 0

    lax.fori_loop(0, _VPR, mk_mask, 0)

    def start(base, k):
        return pltpu.async_copy(
            x_hbm.at[pl.ds(base + k * _CHUNK, _CHUNK)],
            bufs[k % 2].at[pl.ds(0, _CHUNK)], sems[k % 2])

    cps = [start(half_base, 0), start(half_base, 1)]
    vmn = jnp.full((16,), 3.4e38, jnp.float32)
    vmx = -vmn
    for k in range(_NC2):
        cps[k % 2].wait()
        buf = bufs[k % 2]

        def p1_vec(j, cc):
            m0, m1 = cc
            v = buf[pl.ds(j * 16, 16)]
            return jnp.minimum(m0, v), jnp.maximum(m1, v)

        vmn, vmx = lax.fori_loop(0, _VECS, p1_vec, (vmn, vmx), unroll=4)
        if k + 2 < _NC2:
            cps[k % 2] = start(half_base, k + 2)

    mm[0, :] = vmn
    mm[1, :] = vmx
    pltpu.sync_copy(mm, sh_mm.at[s])
    plsc.subcore_barrier()
    pltpu.sync_copy(sh_mm.at[s ^ 1], mm_peer)
    gmn = jnp.minimum(vmn, mm_peer[0, :])
    gmx = jnp.maximum(vmx, mm_peer[1, :])
    mn = _lane_reduce(gmn, jnp.minimum)
    mx = _lane_reduce(gmx, jnp.maximum)
    ones = jnp.ones((16,), jnp.float32)
    scale = (ones * 255.0) / (ones * (mx - mn))
    beta = 0.5 - mn * scale

    cps = [start(half_base, 0), start(half_base, 1)]
    acc = jnp.zeros((16,), jnp.float32)
    for k in range(_NC2):
        cps[k % 2].wait()
        buf = bufs[k % 2]

        def p2_vec(j, ai):
            v1 = buf[pl.ds(j * 16, 16)]
            v2 = buf[pl.ds(j * 16 + _OFF, 16)]
            q1 = (v1 * scale + beta).astype(jnp.int32)
            q2 = (v2 * scale + beta).astype(jnp.int32)
            d = q1 - q2
            keep = mask[pl.ds(lax.rem(j, _VPR) * 16, 16)]
            return ai + (d * d & keep)

        acci = lax.fori_loop(0, _VECS, p2_vec, jnp.zeros((16,), jnp.int32), unroll=4)
        acc = acc + acci.astype(jnp.float32)
        if k + 2 < _NC2:
            cps[k % 2] = start(half_base, k + 2)

    part = _lane_reduce(acc, jnp.add)
    stage[...] = jnp.where(lanes == 0, part, 0.0)
    pltpu.sync_copy(stage, out_hbm.at[row])


@jax.jit
def _glcm_sc(xflat):
    mesh = plsc.VectorSubcoreMesh(core_axis_name="c", subcore_axis_name="s",
                                  num_cores=2, num_subcores=16)
    f = pl.kernel(
        _glcm_body,
        out_type=jax.ShapeDtypeStruct((32, 16), jnp.float32),
        mesh=mesh,
        scratch_types=[
            pltpu.VMEM((_CHUNK + 16,), jnp.float32),
            pltpu.VMEM((_CHUNK + 16,), jnp.float32),
            pltpu.VMEM((_W,), jnp.int32),
            pltpu.VMEM((16,), jnp.float32),
            pltpu.VMEM((8, 16), jnp.float32),
            pltpu.VMEM((8, 16), jnp.float32),
            pltpu.VMEM_SHARED((16, 8, 16), jnp.float32),
            pltpu.SemaphoreType.DMA,
            pltpu.SemaphoreType.DMA,
        ],
    )
    return f(xflat)


def kernel(x):
    xflat = x.reshape(_B * _IMG)
    rows = _glcm_sc(xflat)
    parts = rows[:, 0].reshape(2, 8, 2)
    sums = parts.sum(axis=2).reshape(_B)
    return (sums * (1.0 / _PAIRS)).reshape(_B, 1, 1, 1)

# --- scband reference (transcript-rebuilt; emitter-appended) ---
"""Pipeline reference for scband-texture-extractor-32504312496377 (READ-ONLY COPY).

The authoritative reference and input builder live on the scoring server;
editing this copy changes nothing except your own understanding.
"""

import jax, jax.numpy as jnp
import numpy as np
import math

LEVELS = 256
SPATIAL = [5]
ANGULAR = [0]


def _glcm_contrast(img, d, theta_deg):
    levels = LEVELS
    imn = img.min()
    imx = img.max()
    q = jnp.round((levels - 1) * (img - imn) / (imx - imn)).astype(jnp.int32)
    q = jax.lax.stop_gradient(q)
    rad = theta_deg * math.pi / 180.0
    orow = int(round(math.sin(rad) * d))
    ocol = int(round(math.cos(rad) * d))
    rows, cols = img.shape[-2], img.shape[-1]
    sr = 0 if orow > 0 else -orow
    er = rows - orow if orow > 0 else rows
    sc = 0 if ocol > 0 else -ocol
    ec = cols - ocol if ocol > 0 else cols
    a = q[..., sr:er, sc:ec].reshape(-1)
    b = q[..., sr + orow:er + orow, sc + ocol:ec + ocol].reshape(-1)
    flat = a * levels + b
    counts = jnp.zeros((levels * levels,), jnp.float32).at[flat].add(1.0)
    glcm = counts.reshape(levels, levels)
    glcm = glcm + glcm.T
    s = glcm.sum()
    s = jnp.where(s == 0, 1.0, s)
    p = glcm / s
    ii, jj = jnp.meshgrid(jnp.arange(levels, dtype=jnp.float32), jnp.arange(levels, dtype=jnp.float32), indexing='ij')
    return (((ii - jj) ** 2) * p).sum()


def setup_inputs(seed: int = 0) -> dict:
    key = jax.random.key(seed)
    x = jax.random.uniform(key, (16, 1, 512, 512), dtype=jnp.float32)
    return {"x": x}


def reference(x):
    B = x.shape[0]
    feats = []
    for i in range(B):
        vals = [_glcm_contrast(x[i], d, th) for d in SPATIAL for th in ANGULAR]
        feats.append(jnp.stack(vals).reshape(1, len(SPATIAL), len(ANGULAR)))
    return jnp.stack(feats, axis=0)

if __name__ == "__main__":
    import jax
    _d = setup_inputs()
    print(jax.jit(kernel)(*tuple(_d.values())))

</pallas_src>

<mosaic_0001>
#map = affine_map<(d0, d1) -> (0)>
#map1 = affine_map<(d0, d1) -> (0, 0)>
module attributes {stable_mosaic.version = 14 : i64} {
  func.func @_glcm_body(%arg0: i32, %arg1: i32, %arg2: memref<4194304xf32, #tpu.memory_space<hbm>>, %arg3: memref<32x16xf32, #tpu.memory_space<hbm>>, %arg4: memref<32784xf32, #tpu.memory_space<vmem>>, %arg5: memref<32784xf32, #tpu.memory_space<vmem>>, %arg6: memref<512xi32, #tpu.memory_space<vmem>>, %arg7: memref<16xf32, #tpu.memory_space<vmem>>, %arg8: memref<8x16xf32, #tpu.memory_space<vmem>>, %arg9: memref<8x16xf32, #tpu.memory_space<vmem>>, %arg10: memref<16x8x16xf32, #tpu.memory_space<vmem_shared>>, %arg11: memref<!tpu.dma_semaphore, #tpu.memory_space<semaphore_mem>>, %arg12: memref<!tpu.dma_semaphore, #tpu.memory_space<semaphore_mem>>) attributes {dimension_semantics = [#tpu.dimension_semantics<core_parallel>, #tpu.dimension_semantics<subcore_parallel>], iteration_bounds = array<i64: 2, 16>, scalar_prefetch = 0 : i64, scratch_operands = 9 : i64, tpu.core_type = #tpu.core_type<sc_vector_subcore>, window_params = [{transform_indices = #map}, {transform_indices = #map1}]} {
    %mul3A = arith.constant 8 : i32
    %mul3A_0 = arith.muli %arg0, %mul3A : i32
    %div3A = arith.constant 2 : i32
    %div3A_1 = arith.divsi %arg1, %div3A : i32
    %add3A = arith.addi %mul3A_0, %div3A_1 : i32
    %rem3A = arith.constant 2 : i32
    %rem3A_2 = arith.remsi %arg1, %rem3A : i32
    %mul3A_3 = arith.constant 16 : i32
    %mul3A_4 = arith.muli %arg0, %mul3A_3 : i32
    %add3A_5 = arith.addi %mul3A_4, %arg1 : i32
    %iota3A = tpu.iota {dimensions = array<i32: 0>} : vector<16xi32>
    %mul3A_6 = arith.constant 262144 : i32
    %mul3A_7 = arith.muli %add3A, %mul3A_6 : i32
    %mul3A_8 = arith.constant 131072 : i32
    %mul3A_9 = arith.muli %rem3A_2, %mul3A_8 : i32
    %add3A_10 = arith.addi %mul3A_7, %mul3A_9 : i32
    %broadcast_in_dim3A = arith.constant 0.000000e+00 : f32
    %broadcast_in_dim3A_11 = vector.broadcast %broadcast_in_dim3A : f32 to vector<16xf32>
    %swap3A = arith.constant 32768 : index
    %swap3A_12 = tpu.vector_load %arg4[%swap3A] {strides = array<i32>} : memref<32784xf32, #tpu.memory_space<vmem>>, vector<16xf32>,
    %swap3A_13 = vector.shape_cast %swap3A_12 : vector<16xf32> to vector<16xf32>
    %swap3A_14 = vector.shape_cast %broadcast_in_dim3A_11 : vector<16xf32> to vector<16xf32>
    tpu.vector_store %arg4[%swap3A], %swap3A_14 {strides = array<i32>} : memref<32784xf32, #tpu.memory_space<vmem>>, vector<16xf32>,
    %broadcast_in_dim3A_15 = arith.constant 0.000000e+00 : f32
    %broadcast_in_dim3A_16 = vector.broadcast %broadcast_in_dim3A_15 : f32 to vector<16xf32>
    %swap3A_17 = arith.constant 32768 : index
    %swap3A_18 = tpu.vector_load %arg5[%swap3A_17] {strides = array<i32>} : memref<32784xf32, #tpu.memory_space<vmem>>, vector<16xf32>,
    %swap3A_19 = vector.shape_cast %swap3A_18 : vector<16xf32> to vector<16xf32>
    %swap3A_20 = vector.shape_cast %broadcast_in_dim3A_16 : vector<16xf32> to vector<16xf32>
    tpu.vector_store %arg5[%swap3A_17], %swap3A_20 {strides = array<i32>} : memref<32784xf32, #tpu.memory_space<vmem>>, vector<16xf32>,
    %scan3A = arith.constant 0 : i32
    %scan3A_21 = arith.constant 0 : i32
    %scan3A_22 = arith.constant 32 : i32
    %scan3A_23 = arith.addi %scan3A_21, %scan3A_22 : i32
    %scan3A_24 = arith.constant 1 : i32
    %scan3A_25 = scf.for %scan3A_388 = %scan3A_21 to %scan3A_23 step %scan3A_24 iter_args(%scan3A_389 = %scan3A) -> (i32)  : i32 {
      %mul3A_390 = arith.constant 16 : i32
      %mul3A_391 = arith.muli %scan3A_388, %mul3A_390 : i32
      %add3A_392 = vector.broadcast %mul3A_391 : i32 to vector<16xi32>
      %add3A_393 = arith.addi %add3A_392, %iota3A : vector<16xi32>
      %lt3A = arith.constant 507 : i32
      %lt3A_394 = vector.broadcast %lt3A : i32 to vector<16xi32>
      %lt3A_395 = arith.cmpi slt, %add3A_393, %lt3A_394 : vector<16xi32>
      %jit3A_396 = arith.constant -1 : i32
      %jit3A_397 = arith.constant 0 : i32
      %broadcast_in_dim3A_398 = vector.broadcast %jit3A_396 : i32 to vector<16xi32>
      %broadcast_in_dim3A_399 = vector.broadcast %jit3A_397 : i32 to vector<16xi32>
      %select_n3A_400 = arith.select %lt3A_395, %broadcast_in_dim3A_398, %broadcast_in_dim3A_399 : vector<16xi1>, vector<16xi32>
      %mul3A_401 = arith.constant 16 : i32
      %mul3A_402 = arith.muli %scan3A_388, %mul3A_401 : i32
      %swap3A_403 = arith.index_cast %mul3A_402 : i32 to index
      %swap3A_404 = tpu.vector_load %arg6[%swap3A_403] {strides = array<i32>} : memref<512xi32, #tpu.memory_space<vmem>>, vector<16xi32>,
      %swap3A_405 = vector.shape_cast %swap3A_404 : vector<16xi32> to vector<16xi32>
      %swap3A_406 = vector.shape_cast %select_n3A_400 : vector<16xi32> to vector<16xi32>
      tpu.vector_store %arg6[%swap3A_403], %swap3A_406 {strides = array<i32>} : memref<512xi32, #tpu.memory_space<vmem>>, vector<16xi32>,
      %scan3A_407 = arith.constant 0 : i32
      scf.yield %scan3A_407 : i32
    }
    %scan3A_26 = arith.constant 32 : i32
    %add3A_27 = arith.constant 0 : i32
    %add3A_28 = arith.addi %add3A_10, %add3A_27 : i32
    %dma_start3A = arith.constant 0 : i32
    %dma_start3A_29 = tpu.memref_slice %arg4[%dma_start3A] : memref<32784xf32, #tpu.memory_space<vmem>> -> memref<32768xf32, #tpu.memory_space<vmem>>
    %dma_start3A_30 = tpu.memref_slice %arg2[%add3A_28] : memref<4194304xf32, #tpu.memory_space<hbm>> -> memref<32768xf32, #tpu.memory_space<hbm>>
    %dma_start3A_31 = arith.constant 0 : i32
    %dma_start3A_32 = tpu.memref_slice %arg4[%dma_start3A_31] : memref<32784xf32, #tpu.memory_space<vmem>> -> memref<32768xf32, #tpu.memory_space<vmem>>
    %dma_start3A_33 = tpu.memref_slice %arg2[%add3A_28] : memref<4194304xf32, #tpu.memory_space<hbm>> -> memref<32768xf32, #tpu.memory_space<hbm>>
    tpu.enqueue_dma source(%dma_start3A_33 : memref<32768xf32, #tpu.memory_space<hbm>>) target(%dma_start3A_32 : memref<32768xf32, #tpu.memory_space<vmem>>) target_semaphore(%arg11 : memref<!tpu.dma_semaphore, #tpu.memory_space<semaphore_mem>>)
    %add3A_34 = arith.constant 32768 : i32
    %add3A_35 = arith.addi %add3A_10, %add3A_34 : i32
    %dma_start3A_36 = arith.constant 0 : i32
    %dma_start3A_37 = tpu.memref_slice %arg5[%dma_start3A_36] : memref<32784xf32, #tpu.memory_space<vmem>> -> memref<32768xf32, #tpu.memory_space<vmem>>
    %dma_start3A_38 = tpu.memref_slice %arg2[%add3A_35] : memref<4194304xf32, #tpu.memory_space<hbm>> -> memref<32768xf32, #tpu.memory_space<hbm>>
    %dma_start3A_39 = arith.constant 0 : i32
    %dma_start3A_40 = tpu.memref_slice %arg5[%dma_start3A_39] : memref<32784xf32, #tpu.memory_space<vmem>> -> memref<32768xf32, #tpu.memory_space<vmem>>
    %dma_start3A_41 = tpu.memref_slice %arg2[%add3A_35] : memref<4194304xf32, #tpu.memory_space<hbm>> -> memref<32768xf32, #tpu.memory_space<hbm>>
    tpu.enqueue_dma source(%dma_start3A_41 : memref<32768xf32, #tpu.memory_space<hbm>>) target(%dma_start3A_40 : memref<32768xf32, #tpu.memory_space<vmem>>) target_semaphore(%arg12 : memref<!tpu.dma_semaphore, #tpu.memory_space<semaphore_mem>>)
    %broadcast_in_dim3A_42 = arith.constant 3.400000e+38 : f32
    %broadcast_in_dim3A_43 = vector.broadcast %broadcast_in_dim3A_42 : f32 to vector<16xf32>
    %neg3A = arith.constant 0.000000e+00 : f32
    %neg3A_44 = vector.broadcast %neg3A : f32 to vector<16xf32>
    %neg3A_45 = arith.subf %neg3A_44, %broadcast_in_dim3A_43 : vector<16xf32>
    %dma_wait3A = arith.constant 0 : i32
    %dma_wait3A_46 = tpu.memref_slice %arg4[%dma_wait3A] : memref<32784xf32, #tpu.memory_space<vmem>> -> memref<32768xf32, #tpu.memory_space<vmem>>
    %dma_wait3A_47 = tpu.memref_slice %arg2[%add3A_28] : memref<4194304xf32, #tpu.memory_space<hbm>> -> memref<32768xf32, #tpu.memory_space<hbm>>
    %dma_wait3A_48 = arith.constant 0 : i32
    %dma_wait3A_49 = tpu.memref_slice %arg4[%dma_wait3A_48] : memref<32784xf32, #tpu.memory_space<vmem>> -> memref<32768xf32, #tpu.memory_space<vmem>>
    %dma_wait3A_50 = tpu.memref_slice %arg2[%add3A_28] : memref<4194304xf32, #tpu.memory_space<hbm>> -> memref<32768xf32, #tpu.memory_space<hbm>>
    tpu.wait_dma2 semaphore(%arg11 : memref<!tpu.dma_semaphore, #tpu.memory_space<semaphore_mem>>) src(%dma_wait3A_50 : memref<32768xf32, #tpu.memory_space<hbm>>) dst(%dma_wait3A_49 : memref<32768xf32, #tpu.memory_space<vmem>>)
    %scan3A_51 = arith.constant 0 : i32
    %scan3A_52 = arith.constant 2048 : i32
    %scan3A_53 = arith.addi %scan3A_51, %scan3A_52 : i32
    %scan3A_54 = arith.constant 4 : i32
    %scan3A_55:2 = scf.for %scan3A_388 = %scan3A_51 to %scan3A_53 step %scan3A_54 iter_args(%scan3A_389 = %broadcast_in_dim3A_43, %scan3A_390 = %neg3A_45) -> (vector<16xf32>, vector<16xf32>)  : i32 {
      %mul3A_391 = arith.constant 16 : i32
      %mul3A_392 = arith.muli %scan3A_388, %mul3A_391 : i32
      %get3A_393 = arith.index_cast %mul3A_392 : i32 to index
      %get3A_394 = tpu.vector_load %arg4[%get3A_393] {strides = array<i32>} : memref<32784xf32, #tpu.memory_space<vmem>>, vector<16xf32>,
      %get3A_395 = vector.shape_cast %get3A_394 : vector<16xf32> to vector<16xf32>
      %min3A_396 = arith.minimumf %scan3A_389, %get3A_395 : vector<16xf32>
      %max3A_397 = arith.maximumf %scan3A_390, %get3A_395 : vector<16xf32>
      %scan3A_398 = arith.constant 1 : i32
      %scan3A_399 = arith.addi %scan3A_388, %scan3A_398 : i32
      %mul3A_400 = arith.constant 16 : i32
      %mul3A_401 = arith.muli %scan3A_399, %mul3A_400 : i32
      %get3A_402 = arith.index_cast %mul3A_401 : i32 to index
      %get3A_403 = tpu.vector_load %arg4[%get3A_402] {strides = array<i32>} : memref<32784xf32, #tpu.memory_space<vmem>>, vector<16xf32>,
      %get3A_404 = vector.shape_cast %get3A_403 : vector<16xf32> to vector<16xf32>
      %min3A_405 = arith.minimumf %min3A_396, %get3A_404 : vector<16xf32>
      %max3A_406 = arith.maximumf %max3A_397, %get3A_404 : vector<16xf32>
      %scan3A_407 = arith.constant 2 : i32
      %scan3A_408 = arith.addi %scan3A_388, %scan3A_407 : i32
      %mul3A_409 = arith.constant 16 : i32
      %mul3A_410 = arith.muli %scan3A_408, %mul3A_409 : i32
      %get3A_411 = arith.index_cast %mul3A_410 : i32 to index
      %get3A_412 = tpu.vector_load %arg4[%get3A_411] {strides = array<i32>} : memref<32784xf32, #tpu.memory_space<vmem>>, vector<16xf32>,
      %get3A_413 = vector.shape_cast %get3A_412 : vector<16xf32> to vector<16xf32>
      %min3A_414 = arith.minimumf %min3A_405, %get3A_413 : vector<16xf32>
      %max3A_415 = arith.maximumf %max3A_406, %get3A_413 : vector<16xf32>
      %scan3A_416 = arith.constant 3 : i32
      %scan3A_417 = arith.addi %scan3A_388, %scan3A_416 : i32
      %mul3A_418 = arith.constant 16 : i32
      %mul3A_419 = arith.muli %scan3A_417, %mul3A_418 : i32
      %get3A_420 = arith.index_cast %mul3A_419 : i32 to index
      %get3A_421 = tpu.vector_load %arg4[%get3A_420] {strides = array<i32>} : memref<32784xf32, #tpu.memory_space<vmem>>, vector<16xf32>,
      %get3A_422 = vector.shape_cast %get3A_421 : vector<16xf32> to vector<16xf32>
      %min3A_423 = arith.minimumf %min3A_414, %get3A_422 : vector<16xf32>
      %max3A_424 = arith.maximumf %max3A_415, %get3A_422 : vector<16xf32>
      scf.yield %min3A_423, %max3A_424 : vector<16xf32>, vector<16xf32>
    }
    %scan3A_56 = arith.constant 2048 : i32
    %add3A_57 = arith.constant 65536 : i32
    %add3A_58 = arith.addi %add3A_10, %add3A_57 : i32
    %dma_start3A_59 = arith.constant 0 : i32
    %dma_start3A_60 = tpu.memref_slice %arg4[%dma_start3A_59] : memref<32784xf32, #tpu.memory_space<vmem>> -> memref<32768xf32, #tpu.memory_space<vmem>>
    %dma_start3A_61 = tpu.memref_slice %arg2[%add3A_58] : memref<4194304xf32, #tpu.memory_space<hbm>> -> memref<32768xf32, #tpu.memory_space<hbm>>
    %dma_start3A_62 = arith.constant 0 : i32
    %dma_start3A_63 = tpu.memref_slice %arg4[%dma_start3A_62] : memref<32784xf32, #tpu.memory_space<vmem>> -> memref<32768xf32, #tpu.memory_space<vmem>>
    %dma_start3A_64 = tpu.memref_slice %arg2[%add3A_58] : memref<4194304xf32, #tpu.memory_space<hbm>> -> memref<32768xf32, #tpu.memory_space<hbm>>
    tpu.enqueue_dma source(%dma_start3A_64 : memref<32768xf32, #tpu.memory_space<hbm>>) target(%dma_start3A_63 : memref<32768xf32, #tpu.memory_space<vmem>>) target_semaphore(%arg11 : memref<!tpu.dma_semaphore, #tpu.memory_space<semaphore_mem>>)
    %dma_wait3A_65 = arith.constant 0 : i32
    %dma_wait3A_66 = tpu.memref_slice %arg5[%dma_wait3A_65] : memref<32784xf32, #tpu.memory_space<vmem>> -> memref<32768xf32, #tpu.memory_space<vmem>>
    %dma_wait3A_67 = tpu.memref_slice %arg2[%add3A_35] : memref<4194304xf32, #tpu.memory_space<hbm>> -> memref<32768xf32, #tpu.memory_space<hbm>>
    %dma_wait3A_68 = arith.constant 0 : i32
    %dma_wait3A_69 = tpu.memref_slice %arg5[%dma_wait3A_68] : memref<32784xf32, #tpu.memory_space<vmem>> -> memref<32768xf32, #tpu.memory_space<vmem>>
    %dma_wait3A_70 = tpu.memref_slice %arg2[%add3A_35] : memref<4194304xf32, #tpu.memory_space<hbm>> -> memref<32768xf32, #tpu.memory_space<hbm>>
    tpu.wait_dma2 semaphore(%arg12 : memref<!tpu.dma_semaphore, #tpu.memory_space<semaphore_mem>>) src(%dma_wait3A_70 : memref<32768xf32, #tpu.memory_space<hbm>>) dst(%dma_wait3A_69 : memref<32768xf32, #tpu.memory_space<vmem>>)
    %scan3A_71 = arith.constant 0 : i32
    %scan3A_72 = arith.constant 2048 : i32
    %scan3A_73 = arith.addi %scan3A_71, %scan3A_72 : i32
    %scan3A_74 = arith.constant 4 : i32
    %scan3A_75:2 = scf.for %scan3A_388 = %scan3A_71 to %scan3A_73 step %scan3A_74 iter_args(%scan3A_389 = %scan3A_55#0, %scan3A_390 = %scan3A_55#1) -> (vector<16xf32>, vector<16xf32>)  : i32 {
      %mul3A_391 = arith.constant 16 : i32
      %mul3A_392 = arith.muli %scan3A_388, %mul3A_391 : i32
      %get3A_393 = arith.index_cast %mul3A_392 : i32 to index
      %get3A_394 = tpu.vector_load %arg5[%get3A_393] {strides = array<i32>} : memref<32784xf32, #tpu.memory_space<vmem>>, vector<16xf32>,
      %get3A_395 = vector.shape_cast %get3A_394 : vector<16xf32> to vector<16xf32>
      %min3A_396 = arith.minimumf %scan3A_389, %get3A_395 : vector<16xf32>
      %max3A_397 = arith.maximumf %scan3A_390, %get3A_395 : vector<16xf32>
      %scan3A_398 = arith.constant 1 : i32
      %scan3A_399 = arith.addi %scan3A_388, %scan3A_398 : i32
      %mul3A_400 = arith.constant 16 : i32
      %mul3A_401 = arith.muli %scan3A_399, %mul3A_400 : i32
      %get3A_402 = arith.index_cast %mul3A_401 : i32 to index
      %get3A_403 = tpu.vector_load %arg5[%get3A_402] {strides = array<i32>} : memref<32784xf32, #tpu.memory_space<vmem>>, vector<16xf32>,
      %get3A_404 = vector.shape_cast %get3A_403 : vector<16xf32> to vector<16xf32>
      %min3A_405 = arith.minimumf %min3A_396, %get3A_404 : vector<16xf32>
      %max3A_406 = arith.maximumf %max3A_397, %get3A_404 : vector<16xf32>
      %scan3A_407 = arith.constant 2 : i32
      %scan3A_408 = arith.addi %scan3A_388, %scan3A_407 : i32
      %mul3A_409 = arith.constant 16 : i32
      %mul3A_410 = arith.muli %scan3A_408, %mul3A_409 : i32
      %get3A_411 = arith.index_cast %mul3A_410 : i32 to index
      %get3A_412 = tpu.vector_load %arg5[%get3A_411] {strides = array<i32>} : memref<32784xf32, #tpu.memory_space<vmem>>, vector<16xf32>,
      %get3A_413 = vector.shape_cast %get3A_412 : vector<16xf32> to vector<16xf32>
      %min3A_414 = arith.minimumf %min3A_405, %get3A_413 : vector<16xf32>
      %max3A_415 = arith.maximumf %max3A_406, %get3A_413 : vector<16xf32>
      %scan3A_416 = arith.constant 3 : i32
      %scan3A_417 = arith.addi %scan3A_388, %scan3A_416 : i32
      %mul3A_418 = arith.constant 16 : i32
      %mul3A_419 = arith.muli %scan3A_417, %mul3A_418 : i32
      %get3A_420 = arith.index_cast %mul3A_419 : i32 to index
      %get3A_421 = tpu.vector_load %arg5[%get3A_420] {strides = array<i32>} : memref<32784xf32, #tpu.memory_space<vmem>>, vector<16xf32>,
      %get3A_422 = vector.shape_cast %get3A_421 : vector<16xf32> to vector<16xf32>
      %min3A_423 = arith.minimumf %min3A_414, %get3A_422 : vector<16xf32>
      %max3A_424 = arith.maximumf %max3A_415, %get3A_422 : vector<16xf32>
      scf.yield %min3A_423, %max3A_424 : vector<16xf32>, vector<16xf32>
    }
    %scan3A_76 = arith.constant 2048 : i32
    %add3A_77 = arith.constant 98304 : i32
    %add3A_78 = arith.addi %add3A_10, %add3A_77 : i32
    %dma_start3A_79 = arith.constant 0 : i32
    %dma_start3A_80 = tpu.memref_slice %arg5[%dma_start3A_79] : memref<32784xf32, #tpu.memory_space<vmem>> -> memref<32768xf32, #tpu.memory_space<vmem>>
    %dma_start3A_81 = tpu.memref_slice %arg2[%add3A_78] : memref<4194304xf32, #tpu.memory_space<hbm>> -> memref<32768xf32, #tpu.memory_space<hbm>>
    %dma_start3A_82 = arith.constant 0 : i32
    %dma_start3A_83 = tpu.memref_slice %arg5[%dma_start3A_82] : memref<32784xf32, #tpu.memory_space<vmem>> -> memref<32768xf32, #tpu.memory_space<vmem>>
    %dma_start3A_84 = tpu.memref_slice %arg2[%add3A_78] : memref<4194304xf32, #tpu.memory_space<hbm>> -> memref<32768xf32, #tpu.memory_space<hbm>>
    tpu.enqueue_dma source(%dma_start3A_84 : memref<32768xf32, #tpu.memory_space<hbm>>) target(%dma_start3A_83 : memref<32768xf32, #tpu.memory_space<vmem>>) target_semaphore(%arg12 : memref<!tpu.dma_semaphore, #tpu.memory_space<semaphore_mem>>)
    %dma_wait3A_85 = arith.constant 0 : i32
    %dma_wait3A_86 = tpu.memref_slice %arg4[%dma_wait3A_85] : memref<32784xf32, #tpu.memory_space<vmem>> -> memref<32768xf32, #tpu.memory_space<vmem>>
    %dma_wait3A_87 = tpu.memref_slice %arg2[%add3A_58] : memref<4194304xf32, #tpu.memory_space<hbm>> -> memref<32768xf32, #tpu.memory_space<hbm>>
    %dma_wait3A_88 = arith.constant 0 : i32
    %dma_wait3A_89 = tpu.memref_slice %arg4[%dma_wait3A_88] : memref<32784xf32, #tpu.memory_space<vmem>> -> memref<32768xf32, #tpu.memory_space<vmem>>
    %dma_wait3A_90 = tpu.memref_slice %arg2[%add3A_58] : memref<4194304xf32, #tpu.memory_space<hbm>> -> memref<32768xf32, #tpu.memory_space<hbm>>
    tpu.wait_dma2 semaphore(%arg11 : memref<!tpu.dma_semaphore, #tpu.memory_space<semaphore_mem>>) src(%dma_wait3A_90 : memref<32768xf32, #tpu.memory_space<hbm>>) dst(%dma_wait3A_89 : memref<32768xf32, #tpu.memory_space<vmem>>)
    %scan3A_91 = arith.constant 0 : i32
    %scan3A_92 = arith.constant 2048 : i32
    %scan3A_93 = arith.addi %scan3A_91, %scan3A_92 : i32
    %scan3A_94 = arith.constant 4 : i32
    %scan3A_95:2 = scf.for %scan3A_388 = %scan3A_91 to %scan3A_93 step %scan3A_94 iter_args(%scan3A_389 = %scan3A_75#0, %scan3A_390 = %scan3A_75#1) -> (vector<16xf32>, vector<16xf32>)  : i32 {
      %mul3A_391 = arith.constant 16 : i32
      %mul3A_392 = arith.muli %scan3A_388, %mul3A_391 : i32
      %get3A_393 = arith.index_cast %mul3A_392 : i32 to index
      %get3A_394 = tpu.vector_load %arg4[%get3A_393] {strides = array<i32>} : memref<32784xf32, #tpu.memory_space<vmem>>, vector<16xf32>,
      %get3A_395 = vector.shape_cast %get3A_394 : vector<16xf32> to vector<16xf32>
      %min3A_396 = arith.minimumf %scan3A_389, %get3A_395 : vector<16xf32>
      %max3A_397 = arith.maximumf %scan3A_390, %get3A_395 : vector<16xf32>
      %scan3A_398 = arith.constant 1 : i32
      %scan3A_399 = arith.addi %scan3A_388, %scan3A_398 : i32
      %mul3A_400 = arith.constant 16 : i32
      %mul3A_401 = arith.muli %scan3A_399, %mul3A_400 : i32
      %get3A_402 = arith.index_cast %mul3A_401 : i32 to index
      %get3A_403 = tpu.vector_load %arg4[%get3A_402] {strides = array<i32>} : memref<32784xf32, #tpu.memory_space<vmem>>, vector<16xf32>,
      %get3A_404 = vector.shape_cast %get3A_403 : vector<16xf32> to vector<16xf32>
      %min3A_405 = arith.minimumf %min3A_396, %get3A_404 : vector<16xf32>
      %max3A_406 = arith.maximumf %max3A_397, %get3A_404 : vector<16xf32>
      %scan3A_407 = arith.constant 2 : i32
      %scan3A_408 = arith.addi %scan3A_388, %scan3A_407 : i32
      %mul3A_409 = arith.constant 16 : i32
      %mul3A_410 = arith.muli %scan3A_408, %mul3A_409 : i32
      %get3A_411 = arith.index_cast %mul3A_410 : i32 to index
      %get3A_412 = tpu.vector_load %arg4[%get3A_411] {strides = array<i32>} : memref<32784xf32, #tpu.memory_space<vmem>>, vector<16xf32>,
      %get3A_413 = vector.shape_cast %get3A_412 : vector<16xf32> to vector<16xf32>
      %min3A_414 = arith.minimumf %min3A_405, %get3A_413 : vector<16xf32>
      %max3A_415 = arith.maximumf %max3A_406, %get3A_413 : vector<16xf32>
      %scan3A_416 = arith.constant 3 : i32
      %scan3A_417 = arith.addi %scan3A_388, %scan3A_416 : i32
      %mul3A_418 = arith.constant 16 : i32
      %mul3A_419 = arith.muli %scan3A_417, %mul3A_418 : i32
      %get3A_420 = arith.index_cast %mul3A_419 : i32 to index
      %get3A_421 = tpu.vector_load %arg4[%get3A_420] {strides = array<i32>} : memref<32784xf32, #tpu.memory_space<vmem>>, vector<16xf32>,
      %get3A_422 = vector.shape_cast %get3A_421 : vector<16xf32> to vector<16xf32>
      %min3A_423 = arith.minimumf %min3A_414, %get3A_422 : vector<16xf32>
      %max3A_424 = arith.maximumf %max3A_415, %get3A_422 : vector<16xf32>
      scf.yield %min3A_423, %max3A_424 : vector<16xf32>, vector<16xf32>
    }
    %scan3A_96 = arith.constant 2048 : i32
    %dma_wait3A_97 = arith.constant 0 : i32
    %dma_wait3A_98 = tpu.memref_slice %arg5[%dma_wait3A_97] : memref<32784xf32, #tpu.memory_space<vmem>> -> memref<32768xf32, #tpu.memory_space<vmem>>
    %dma_wait3A_99 = tpu.memref_slice %arg2[%add3A_78] : memref<4194304xf32, #tpu.memory_space<hbm>> -> memref<32768xf32, #tpu.memory_space<hbm>>
    %dma_wait3A_100 = arith.constant 0 : i32
    %dma_wait3A_101 = tpu.memref_slice %arg5[%dma_wait3A_100] : memref<32784xf32, #tpu.memory_space<vmem>> -> memref<32768xf32, #tpu.memory_space<vmem>>
    %dma_wait3A_102 = tpu.memref_slice %arg2[%add3A_78] : memref<4194304xf32, #tpu.memory_space<hbm>> -> memref<32768xf32, #tpu.memory_space<hbm>>
    tpu.wait_dma2 semaphore(%arg12 : memref<!tpu.dma_semaphore, #tpu.memory_space<semaphore_mem>>) src(%dma_wait3A_102 : memref<32768xf32, #tpu.memory_space<hbm>>) dst(%dma_wait3A_101 : memref<32768xf32, #tpu.memory_space<vmem>>)
    %scan3A_103 = arith.constant 0 : i32
    %scan3A_104 = arith.constant 2048 : i32
    %scan3A_105 = arith.addi %scan3A_103, %scan3A_104 : i32
    %scan3A_106 = arith.constant 4 : i32
    %scan3A_107:2 = scf.for %scan3A_388 = %scan3A_103 to %scan3A_105 step %scan3A_106 iter_args(%scan3A_389 = %scan3A_95#0, %scan3A_390 = %scan3A_95#1) -> (vector<16xf32>, vector<16xf32>)  : i32 {
      %mul3A_391 = arith.constant 16 : i32
      %mul3A_392 = arith.muli %scan3A_388, %mul3A_391 : i32
      %get3A_393 = arith.index_cast %mul3A_392 : i32 to index
      %get3A_394 = tpu.vector_load %arg5[%get3A_393] {strides = array<i32>} : memref<32784xf32, #tpu.memory_space<vmem>>, vector<16xf32>,
      %get3A_395 = vector.shape_cast %get3A_394 : vector<16xf32> to vector<16xf32>
      %min3A_396 = arith.minimumf %scan3A_389, %get3A_395 : vector<16xf32>
      %max3A_397 = arith.maximumf %scan3A_390, %get3A_395 : vector<16xf32>
      %scan3A_398 = arith.constant 1 : i32
      %scan3A_399 = arith.addi %scan3A_388, %scan3A_398 : i32
      %mul3A_400 = arith.constant 16 : i32
      %mul3A_401 = arith.muli %scan3A_399, %mul3A_400 : i32
      %get3A_402 = arith.index_cast %mul3A_401 : i32 to index
      %get3A_403 = tpu.vector_load %arg5[%get3A_402] {strides = array<i32>} : memref<32784xf32, #tpu.memory_space<vmem>>, vector<16xf32>,
      %get3A_404 = vector.shape_cast %get3A_403 : vector<16xf32> to vector<16xf32>
      %min3A_405 = arith.minimumf %min3A_396, %get3A_404 : vector<16xf32>
      %max3A_406 = arith.maximumf %max3A_397, %get3A_404 : vector<16xf32>
      %scan3A_407 = arith.constant 2 : i32
      %scan3A_408 = arith.addi %scan3A_388, %scan3A_407 : i32
      %mul3A_409 = arith.constant 16 : i32
      %mul3A_410 = arith.muli %scan3A_408, %mul3A_409 : i32
      %get3A_411 = arith.index_cast %mul3A_410 : i32 to index
      %get3A_412 = tpu.vector_load %arg5[%get3A_411] {strides = array<i32>} : memref<32784xf32, #tpu.memory_space<vmem>>, vector<16xf32>,
      %get3A_413 = vector.shape_cast %get3A_412 : vector<16xf32> to vector<16xf32>
      %min3A_414 = arith.minimumf %min3A_405, %get3A_413 : vector<16xf32>
      %max3A_415 = arith.maximumf %max3A_406, %get3A_413 : vector<16xf32>
      %scan3A_416 = arith.constant 3 : i32
      %scan3A_417 = arith.addi %scan3A_388, %scan3A_416 : i32
      %mul3A_418 = arith.constant 16 : i32
      %mul3A_419 = arith.muli %scan3A_417, %mul3A_418 : i32
      %get3A_420 = arith.index_cast %mul3A_419 : i32 to index
      %get3A_421 = tpu.vector_load %arg5[%get3A_420] {strides = array<i32>} : memref<32784xf32, #tpu.memory_space<vmem>>, vector<16xf32>,
      %get3A_422 = vector.shape_cast %get3A_421 : vector<16xf32> to vector<16xf32>
      %min3A_423 = arith.minimumf %min3A_414, %get3A_422 : vector<16xf32>
      %max3A_424 = arith.maximumf %max3A_415, %get3A_422 : vector<16xf32>
      scf.yield %min3A_423, %max3A_424 : vector<16xf32>, vector<16xf32>
    }
    %scan3A_108 = arith.constant 2048 : i32
    %swap3A_109 = arith.constant 0 : i32
    %swap3A_110 = arith.index_cast %swap3A_109 : i32 to index
    %swap3A_111 = arith.constant 0 : index
    %swap3A_112 = tpu.vector_load %arg8[%swap3A_110, %swap3A_111] {strides = array<i32>} : memref<8x16xf32, #tpu.memory_space<vmem>>, vector<1x16xf32>,
    %swap3A_113 = vector.shape_cast %swap3A_112 : vector<1x16xf32> to vector<16xf32>
    %swap3A_114 = vector.shape_cast %scan3A_107#0 : vector<16xf32> to vector<1x16xf32>
    tpu.vector_store %arg8[%swap3A_110, %swap3A_111], %swap3A_114 {strides = array<i32>} : memref<8x16xf32, #tpu.memory_space<vmem>>, vector<1x16xf32>,
    %swap3A_115 = arith.constant 1 : i32
    %swap3A_116 = arith.index_cast %swap3A_115 : i32 to index
    %swap3A_117 = arith.constant 0 : index
    %swap3A_118 = tpu.vector_load %arg8[%swap3A_116, %swap3A_117] {strides = array<i32>} : memref<8x16xf32, #tpu.memory_space<vmem>>, vector<1x16xf32>,
    %swap3A_119 = vector.shape_cast %swap3A_118 : vector<1x16xf32> to vector<16xf32>
    %swap3A_120 = vector.shape_cast %scan3A_107#1 : vector<16xf32> to vector<1x16xf32>
    tpu.vector_store %arg8[%swap3A_116, %swap3A_117], %swap3A_120 {strides = array<i32>} : memref<8x16xf32, #tpu.memory_space<vmem>>, vector<1x16xf32>,
    "tpu.region"() ({
      %run_scoped3A = tpu.sem_alloc : memref<!tpu.dma_semaphore, #tpu.memory_space<semaphore_mem>>
      %dma_start3A_388 = arith.constant 0 : i32
      %dma_start3A_389 = arith.constant 0 : i32
      %dma_start3A_390 = tpu.memref_slice %arg10[%arg1, %dma_start3A_388, %dma_start3A_389] : memref<16x8x16xf32, #tpu.memory_space<vmem_shared>> -> memref<1x8x16xf32, #tpu.memory_space<vmem_shared>>
      %dma_start3A_391 = tpu.memref_squeeze %dma_start3A_390 : memref<1x8x16xf32, #tpu.memory_space<vmem_shared>> -> memref<8x16xf32, #tpu.memory_space<vmem_shared>>
      %dma_start3A_392 = arith.constant 0 : i32
      %dma_start3A_393 = arith.constant 0 : i32
      %dma_start3A_394 = tpu.memref_slice %arg10[%arg1, %dma_start3A_392, %dma_start3A_393] : memref<16x8x16xf32, #tpu.memory_space<vmem_shared>> -> memref<1x8x16xf32, #tpu.memory_space<vmem_shared>>
      %dma_start3A_395 = tpu.memref_squeeze %dma_start3A_394 : memref<1x8x16xf32, #tpu.memory_space<vmem_shared>> -> memref<8x16xf32, #tpu.memory_space<vmem_shared>>
      tpu.enqueue_dma source(%arg8 : memref<8x16xf32, #tpu.memory_space<vmem>>) target(%dma_start3A_395 : memref<8x16xf32, #tpu.memory_space<vmem_shared>>) target_semaphore(%run_scoped3A : memref<!tpu.dma_semaphore, #tpu.memory_space<semaphore_mem>>)
      %dma_wait3A_396 = arith.constant 0 : i32
      %dma_wait3A_397 = arith.constant 0 : i32
      %dma_wait3A_398 = tpu.memref_slice %arg10[%arg1, %dma_wait3A_396, %dma_wait3A_397] : memref<16x8x16xf32, #tpu.memory_space<vmem_shared>> -> memref<1x8x16xf32, #tpu.memory_space<vmem_shared>>
      %dma_wait3A_399 = tpu.memref_squeeze %dma_wait3A_398 : memref<1x8x16xf32, #tpu.memory_space<vmem_shared>> -> memref<8x16xf32, #tpu.memory_space<vmem_shared>>
      %dma_wait3A_400 = arith.constant 0 : i32
      %dma_wait3A_401 = arith.constant 0 : i32
      %dma_wait3A_402 = tpu.memref_slice %arg10[%arg1, %dma_wait3A_400, %dma_wait3A_401] : memref<16x8x16xf32, #tpu.memory_space<vmem_shared>> -> memref<1x8x16xf32, #tpu.memory_space<vmem_shared>>
      %dma_wait3A_403 = tpu.memref_squeeze %dma_wait3A_402 : memref<1x8x16xf32, #tpu.memory_space<vmem_shared>> -> memref<8x16xf32, #tpu.memory_space<vmem_shared>>
      tpu.wait_dma2 semaphore(%run_scoped3A : memref<!tpu.dma_semaphore, #tpu.memory_space<semaphore_mem>>) src(%arg8 : memref<8x16xf32, #tpu.memory_space<vmem>>) dst(%dma_wait3A_403 : memref<8x16xf32, #tpu.memory_space<vmem_shared>>)
      tpu.yield
    }) : () -> ()
    %barrier3A = arith.constant 0 : index
    tpu.barrier barrier_id(%barrier3A)
    %xor3A = arith.constant 1 : i32
    %xor3A_121 = arith.xori %arg1, %xor3A : i32
    "tpu.region"() ({
      %run_scoped3A = tpu.sem_alloc : memref<!tpu.dma_semaphore, #tpu.memory_space<semaphore_mem>>
      %dma_start3A_388 = arith.constant 0 : i32
      %dma_start3A_389 = arith.constant 0 : i32
      %dma_start3A_390 = tpu.memref_slice %arg10[%xor3A_121, %dma_start3A_388, %dma_start3A_389] : memref<16x8x16xf32, #tpu.memory_space<vmem_shared>> -> memref<1x8x16xf32, #tpu.memory_space<vmem_shared>>
      %dma_start3A_391 = tpu.memref_squeeze %dma_start3A_390 : memref<1x8x16xf32, #tpu.memory_space<vmem_shared>> -> memref<8x16xf32, #tpu.memory_space<vmem_shared>>
      %dma_start3A_392 = arith.constant 0 : i32
      %dma_start3A_393 = arith.constant 0 : i32
      %dma_start3A_394 = tpu.memref_slice %arg10[%xor3A_121, %dma_start3A_392, %dma_start3A_393] : memref<16x8x16xf32, #tpu.memory_space<vmem_shared>> -> memref<1x8x16xf32, #tpu.memory_space<vmem_shared>>
      %dma_start3A_395 = tpu.memref_squeeze %dma_start3A_394 : memref<1x8x16xf32, #tpu.memory_space<vmem_shared>> -> memref<8x16xf32, #tpu.memory_space<vmem_shared>>
      tpu.enqueue_dma source(%dma_start3A_395 : memref<8x16xf32, #tpu.memory_space<vmem_shared>>) target(%arg9 : memref<8x16xf32, #tpu.memory_space<vmem>>) target_semaphore(%run_scoped3A : memref<!tpu.dma_semaphore, #tpu.memory_space<semaphore_mem>>)
      %dma_wait3A_396 = arith.constant 0 : i32
      %dma_wait3A_397 = arith.constant 0 : i32
      %dma_wait3A_398 = tpu.memref_slice %arg10[%xor3A_121, %dma_wait3A_396, %dma_wait3A_397] : memref<16x8x16xf32, #tpu.memory_space<vmem_shared>> -> memref<1x8x16xf32, #tpu.memory_space<vmem_shared>>
      %dma_wait3A_399 = tpu.memref_squeeze %dma_wait3A_398 : memref<1x8x16xf32, #tpu.memory_space<vmem_shared>> -> memref<8x16xf32, #tpu.memory_space<vmem_shared>>
      %dma_wait3A_400 = arith.constant 0 : i32
      %dma_wait3A_401 = arith.constant 0 : i32
      %dma_wait3A_402 = tpu.memref_slice %arg10[%xor3A_121, %dma_wait3A_400, %dma_wait3A_401] : memref<16x8x16xf32, #tpu.memory_space<vmem_shared>> -> memref<1x8x16xf32, #tpu.memory_space<vmem_shared>>
      %dma_wait3A_403 = tpu.memref_squeeze %dma_wait3A_402 : memref<1x8x16xf32, #tpu.memory_space<vmem_shared>> -> memref<8x16xf32, #tpu.memory_space<vmem_shared>>
      tpu.wait_dma2 semaphore(%run_scoped3A : memref<!tpu.dma_semaphore, #tpu.memory_space<semaphore_mem>>) src(%dma_wait3A_403 : memref<8x16xf32, #tpu.memory_space<vmem_shared>>) dst(%arg9 : memref<8x16xf32, #tpu.memory_space<vmem>>)
      tpu.yield
    }) : () -> ()
    %get3A = arith.constant 0 : i32
    %get3A_122 = arith.index_cast %get3A : i32 to index
    %get3A_123 = arith.constant 0 : index
    %get3A_124 = tpu.vector_load %arg9[%get3A_122, %get3A_123] {strides = array<i32>} : memref<8x16xf32, #tpu.memory_space<vmem>>, vector<1x16xf32>,
    %get3A_125 = vector.shape_cast %get3A_124 : vector<1x16xf32> to vector<16xf32>
    %min3A = arith.minimumf %scan3A_107#0, %get3A_125 : vector<16xf32>
    %get3A_126 = arith.constant 1 : i32
    %get3A_127 = arith.index_cast %get3A_126 : i32 to index
    %get3A_128 = arith.constant 0 : index
    %get3A_129 = tpu.vector_load %arg9[%get3A_127, %get3A_128] {strides = array<i32>} : memref<8x16xf32, #tpu.memory_space<vmem>>, vector<1x16xf32>,
    %get3A_130 = vector.shape_cast %get3A_129 : vector<1x16xf32> to vector<16xf32>
    %max3A = arith.maximumf %scan3A_107#1, %get3A_130 : vector<16xf32>
    %slice3A = vector.extract_strided_slice %min3A {offsets = [0], sizes = [1], strides = [1]} : vector<16xf32> to vector<1xf32>
    %squeeze3A = vector.extract %slice3A[0] : f32 from vector<1xf32>
    %slice3A_131 = vector.extract_strided_slice %min3A {offsets = [1], sizes = [1], strides = [1]} : vector<16xf32> to vector<1xf32>
    %squeeze3A_132 = vector.extract %slice3A_131[0] : f32 from vector<1xf32>
    %min3A_133 = arith.minimumf %squeeze3A, %squeeze3A_132 : f32
    %slice3A_134 = vector.extract_strided_slice %min3A {offsets = [2], sizes = [1], strides = [1]} : vector<16xf32> to vector<1xf32>
    %squeeze3A_135 = vector.extract %slice3A_134[0] : f32 from vector<1xf32>
    %min3A_136 = arith.minimumf %min3A_133, %squeeze3A_135 : f32
    %slice3A_137 = vector.extract_strided_slice %min3A {offsets = [3], sizes = [1], strides = [1]} : vector<16xf32> to vector<1xf32>
    %squeeze3A_138 = vector.extract %slice3A_137[0] : f32 from vector<1xf32>
    %min3A_139 = arith.minimumf %min3A_136, %squeeze3A_138 : f32
    %slice3A_140 = vector.extract_strided_slice %min3A {offsets = [4], sizes = [1], strides = [1]} : vector<16xf32> to vector<1xf32>
    %squeeze3A_141 = vector.extract %slice3A_140[0] : f32 from vector<1xf32>
    %min3A_142 = arith.minimumf %min3A_139, %squeeze3A_141 : f32
    %slice3A_143 = vector.extract_strided_slice %min3A {offsets = [5], sizes = [1], strides = [1]} : vector<16xf32> to vector<1xf32>
    %squeeze3A_144 = vector.extract %slice3A_143[0] : f32 from vector<1xf32>
    %min3A_145 = arith.minimumf %min3A_142, %squeeze3A_144 : f32
    %slice3A_146 = vector.extract_strided_slice %min3A {offsets = [6], sizes = [1], strides = [1]} : vector<16xf32> to vector<1xf32>
    %squeeze3A_147 = vector.extract %slice3A_146[0] : f32 from vector<1xf32>
    %min3A_148 = arith.minimumf %min3A_145, %squeeze3A_147 : f32
    %slice3A_149 = vector.extract_strided_slice %min3A {offsets = [7], sizes = [1], strides = [1]} : vector<16xf32> to vector<1xf32>
    %squeeze3A_150 = vector.extract %slice3A_149[0] : f32 from vector<1xf32>
    %min3A_151 = arith.minimumf %min3A_148, %squeeze3A_150 : f32
    %slice3A_152 = vector.extract_strided_slice %min3A {offsets = [8], sizes = [1], strides = [1]} : vector<16xf32> to vector<1xf32>
    %squeeze3A_153 = vector.extract %slice3A_152[0] : f32 from vector<1xf32>
    %min3A_154 = arith.minimumf %min3A_151, %squeeze3A_153 : f32
    %slice3A_155 = vector.extract_strided_slice %min3A {offsets = [9], sizes = [1], strides = [1]} : vector<16xf32> to vector<1xf32>
    %squeeze3A_156 = vector.extract %slice3A_155[0] : f32 from vector<1xf32>
    %min3A_157 = arith.minimumf %min3A_154, %squeeze3A_156 : f32
    %slice3A_158 = vector.extract_strided_slice %min3A {offsets = [10], sizes = [1], strides = [1]} : vector<16xf32> to vector<1xf32>
    %squeeze3A_159 = vector.extract %slice3A_158[0] : f32 from vector<1xf32>
    %min3A_160 = arith.minimumf %min3A_157, %squeeze3A_159 : f32
    %slice3A_161 = vector.extract_strided_slice %min3A {offsets = [11], sizes = [1], strides = [1]} : vector<16xf32> to vector<1xf32>
    %squeeze3A_162 = vector.extract %slice3A_161[0] : f32 from vector<1xf32>
    %min3A_163 = arith.minimumf %min3A_160, %squeeze3A_162 : f32
    %slice3A_164 = vector.extract_strided_slice %min3A {offsets = [12], sizes = [1], strides = [1]} : vector<16xf32> to vector<1xf32>
    %squeeze3A_165 = vector.extract %slice3A_164[0] : f32 from vector<1xf32>
    %min3A_166 = arith.minimumf %min3A_163, %squeeze3A_165 : f32
    %slice3A_167 = vector.extract_strided_slice %min3A {offsets = [13], sizes = [1], strides = [1]} : vector<16xf32> to vector<1xf32>
    %squeeze3A_168 = vector.extract %slice3A_167[0] : f32 from vector<1xf32>
    %min3A_169 = arith.minimumf %min3A_166, %squeeze3A_168 : f32
    %slice3A_170 = vector.extract_strided_slice %min3A {offsets = [14], sizes = [1], strides = [1]} : vector<16xf32> to vector<1xf32>
    %squeeze3A_171 = vector.extract %slice3A_170[0] : f32 from vector<1xf32>
    %min3A_172 = arith.minimumf %min3A_169, %squeeze3A_171 : f32
    %slice3A_173 = vector.extract_strided_slice %min3A {offsets = [15], sizes = [1], strides = [1]} : vector<16xf32> to vector<1xf32>
    %squeeze3A_174 = vector.extract %slice3A_173[0] : f32 from vector<1xf32>
    %min3A_175 = arith.minimumf %min3A_172, %squeeze3A_174 : f32
    %slice3A_176 = vector.extract_strided_slice %max3A {offsets = [0], sizes = [1], strides = [1]} : vector<16xf32> to vector<1xf32>
    %squeeze3A_177 = vector.extract %slice3A_176[0] : f32 from vector<1xf32>
    %slice3A_178 = vector.extract_strided_slice %max3A {offsets = [1], sizes = [1], strides = [1]} : vector<16xf32> to vector<1xf32>
    %squeeze3A_179 = vector.extract %slice3A_178[0] : f32 from vector<1xf32>
    %max3A_180 = arith.maximumf %squeeze3A_177, %squeeze3A_179 : f32
    %slice3A_181 = vector.extract_strided_slice %max3A {offsets = [2], sizes = [1], strides = [1]} : vector<16xf32> to vector<1xf32>
    %squeeze3A_182 = vector.extract %slice3A_181[0] : f32 from vector<1xf32>
    %max3A_183 = arith.maximumf %max3A_180, %squeeze3A_182 : f32
    %slice3A_184 = vector.extract_strided_slice %max3A {offsets = [3], sizes = [1], strides = [1]} : vector<16xf32> to vector<1xf32>
    %squeeze3A_185 = vector.extract %slice3A_184[0] : f32 from vector<1xf32>
    %max3A_186 = arith.maximumf %max3A_183, %squeeze3A_185 : f32
    %slice3A_187 = vector.extract_strided_slice %max3A {offsets = [4], sizes = [1], strides = [1]} : vector<16xf32> to vector<1xf32>
    %squeeze3A_188 = vector.extract %slice3A_187[0] : f32 from vector<1xf32>
    %max3A_189 = arith.maximumf %max3A_186, %squeeze3A_188 : f32
    %slice3A_190 = vector.extract_strided_slice %max3A {offsets = [5], sizes = [1], strides = [1]} : vector<16xf32> to vector<1xf32>
    %squeeze3A_191 = vector.extract %slice3A_190[0] : f32 from vector<1xf32>
    %max3A_192 = arith.maximumf %max3A_189, %squeeze3A_191 : f32
    %slice3A_193 = vector.extract_strided_slice %max3A {offsets = [6], sizes = [1], strides = [1]} : vector<16xf32> to vector<1xf32>
    %squeeze3A_194 = vector.extract %slice3A_193[0] : f32 from vector<1xf32>
    %max3A_195 = arith.maximumf %max3A_192, %squeeze3A_194 : f32
    %slice3A_196 = vector.extract_strided_slice %max3A {offsets = [7], sizes = [1], strides = [1]} : vector<16xf32> to vector<1xf32>
    %squeeze3A_197 = vector.extract %slice3A_196[0] : f32 from vector<1xf32>
    %max3A_198 = arith.maximumf %max3A_195, %squeeze3A_197 : f32
    %slice3A_199 = vector.extract_strided_slice %max3A {offsets = [8], sizes = [1], strides = [1]} : vector<16xf32> to vector<1xf32>
    %squeeze3A_200 = vector.extract %slice3A_199[0] : f32 from vector<1xf32>
    %max3A_201 = arith.maximumf %max3A_198, %squeeze3A_200 : f32
    %slice3A_202 = vector.extract_strided_slice %max3A {offsets = [9], sizes = [1], strides = [1]} : vector<16xf32> to vector<1xf32>
    %squeeze3A_203 = vector.extract %slice3A_202[0] : f32 from vector<1xf32>
    %max3A_204 = arith.maximumf %max3A_201, %squeeze3A_203 : f32
    %slice3A_205 = vector.extract_strided_slice %max3A {offsets = [10], sizes = [1], strides = [1]} : vector<16xf32> to vector<1xf32>
    %squeeze3A_206 = vector.extract %slice3A_205[0] : f32 from vector<1xf32>
    %max3A_207 = arith.maximumf %max3A_204, %squeeze3A_206 : f32
    %slice3A_208 = vector.extract_strided_slice %max3A {offsets = [11], sizes = [1], strides = [1]} : vector<16xf32> to vector<1xf32>
    %squeeze3A_209 = vector.extract %slice3A_208[0] : f32 from vector<1xf32>
    %max3A_210 = arith.maximumf %max3A_207, %squeeze3A_209 : f32
    %slice3A_211 = vector.extract_strided_slice %max3A {offsets = [12], sizes = [1], strides = [1]} : vector<16xf32> to vector<1xf32>
    %squeeze3A_212 = vector.extract %slice3A_211[0] : f32 from vector<1xf32>
    %max3A_213 = arith.maximumf %max3A_210, %squeeze3A_212 : f32
    %slice3A_214 = vector.extract_strided_slice %max3A {offsets = [13], sizes = [1], strides = [1]} : vector<16xf32> to vector<1xf32>
    %squeeze3A_215 = vector.extract %slice3A_214[0] : f32 from vector<1xf32>
    %max3A_216 = arith.maximumf %max3A_213, %squeeze3A_215 : f32
    %slice3A_217 = vector.extract_strided_slice %max3A {offsets = [14], sizes = [1], strides = [1]} : vector<16xf32> to vector<1xf32>
    %squeeze3A_218 = vector.extract %slice3A_217[0] : f32 from vector<1xf32>
    %max3A_219 = arith.maximumf %max3A_216, %squeeze3A_218 : f32
    %slice3A_220 = vector.extract_strided_slice %max3A {offsets = [15], sizes = [1], strides = [1]} : vector<16xf32> to vector<1xf32>
    %squeeze3A_221 = vector.extract %slice3A_220[0] : f32 from vector<1xf32>
    %max3A_222 = arith.maximumf %max3A_219, %squeeze3A_221 : f32
    %broadcast_in_dim3A_223 = arith.constant 1.000000e+00 : f32
    %broadcast_in_dim3A_224 = vector.broadcast %broadcast_in_dim3A_223 : f32 to vector<16xf32>
    %mul3A_225 = arith.constant 2.550000e+02 : f32
    %mul3A_226 = vector.broadcast %mul3A_225 : f32 to vector<16xf32>
    %mul3A_227 = arith.mulf %broadcast_in_dim3A_224, %mul3A_226 : vector<16xf32>
    %sub3A = arith.subf %max3A_222, %min3A_175 : f32
    %mul3A_228 = vector.broadcast %sub3A : f32 to vector<16xf32>
    %mul3A_229 = arith.mulf %broadcast_in_dim3A_224, %mul3A_228 : vector<16xf32>
    %div3A_230 = arith.divf %mul3A_227, %mul3A_229 : vector<16xf32>
    %mul3A_231 = vector.broadcast %min3A_175 : f32 to vector<16xf32>
    %mul3A_232 = arith.mulf %mul3A_231, %div3A_230 : vector<16xf32>
    %sub3A_233 = arith.constant 5.000000e-01 : f32
    %sub3A_234 = vector.broadcast %sub3A_233 : f32 to vector<16xf32>
    %sub3A_235 = arith.subf %sub3A_234, %mul3A_232 : vector<16xf32>
    %add3A_236 = arith.constant 0 : i32
    %add3A_237 = arith.addi %add3A_10, %add3A_236 : i32
    %dma_start3A_238 = arith.constant 0 : i32
    %dma_start3A_239 = tpu.memref_slice %arg4[%dma_start3A_238] : memref<32784xf32, #tpu.memory_space<vmem>> -> memref<32768xf32, #tpu.memory_space<vmem>>
    %dma_start3A_240 = tpu.memref_slice %arg2[%add3A_237] : memref<4194304xf32, #tpu.memory_space<hbm>> -> memref<32768xf32, #tpu.memory_space<hbm>>
    %dma_start3A_241 = arith.constant 0 : i32
    %dma_start3A_242 = tpu.memref_slice %arg4[%dma_start3A_241] : memref<32784xf32, #tpu.memory_space<vmem>> -> memref<32768xf32, #tpu.memory_space<vmem>>
    %dma_start3A_243 = tpu.memref_slice %arg2[%add3A_237] : memref<4194304xf32, #tpu.memory_space<hbm>> -> memref<32768xf32, #tpu.memory_space<hbm>>
    tpu.enqueue_dma source(%dma_start3A_243 : memref<32768xf32, #tpu.memory_space<hbm>>) target(%dma_start3A_242 : memref<32768xf32, #tpu.memory_space<vmem>>) target_semaphore(%arg11 : memref<!tpu.dma_semaphore, #tpu.memory_space<semaphore_mem>>)
    %add3A_244 = arith.constant 32768 : i32
    %add3A_245 = arith.addi %add3A_10, %add3A_244 : i32
    %dma_start3A_246 = arith.constant 0 : i32
    %dma_start3A_247 = tpu.memref_slice %arg5[%dma_start3A_246] : memref<32784xf32, #tpu.memory_space<vmem>> -> memref<32768xf32, #tpu.memory_space<vmem>>
    %dma_start3A_248 = tpu.memref_slice %arg2[%add3A_245] : memref<4194304xf32, #tpu.memory_space<hbm>> -> memref<32768xf32, #tpu.memory_space<hbm>>
    %dma_start3A_249 = arith.constant 0 : i32
    %dma_start3A_250 = tpu.memref_slice %arg5[%dma_start3A_249] : memref<32784xf32, #tpu.memory_space<vmem>> -> memref<32768xf32, #tpu.memory_space<vmem>>
    %dma_start3A_251 = tpu.memref_slice %arg2[%add3A_245] : memref<4194304xf32, #tpu.memory_space<hbm>> -> memref<32768xf32, #tpu.memory_space<hbm>>
    tpu.enqueue_dma source(%dma_start3A_251 : memref<32768xf32, #tpu.memory_space<hbm>>) target(%dma_start3A_250 : memref<32768xf32, #tpu.memory_space<vmem>>) target_semaphore(%arg12 : memref<!tpu.dma_semaphore, #tpu.memory_space<semaphore_mem>>)
    %broadcast_in_dim3A_252 = arith.constant 0.000000e+00 : f32
    %broadcast_in_dim3A_253 = vector.broadcast %broadcast_in_dim3A_252 : f32 to vector<16xf32>
    %dma_wait3A_254 = arith.constant 0 : i32
    %dma_wait3A_255 = tpu.memref_slice %arg4[%dma_wait3A_254] : memref<32784xf32, #tpu.memory_space<vmem>> -> memref<32768xf32, #tpu.memory_space<vmem>>
    %dma_wait3A_256 = tpu.memref_slice %arg2[%add3A_237] : memref<4194304xf32, #tpu.memory_space<hbm>> -> memref<32768xf32, #tpu.memory_space<hbm>>
    %dma_wait3A_257 = arith.constant 0 : i32
    %dma_wait3A_258 = tpu.memref_slice %arg4[%dma_wait3A_257] : memref<32784xf32, #tpu.memory_space<vmem>> -> memref<32768xf32, #tpu.memory_space<vmem>>
    %dma_wait3A_259 = tpu.memref_slice %arg2[%add3A_237] : memref<4194304xf32, #tpu.memory_space<hbm>> -> memref<32768xf32, #tpu.memory_space<hbm>>
    tpu.wait_dma2 semaphore(%arg11 : memref<!tpu.dma_semaphore, #tpu.memory_space<semaphore_mem>>) src(%dma_wait3A_259 : memref<32768xf32, #tpu.memory_space<hbm>>) dst(%dma_wait3A_258 : memref<32768xf32, #tpu.memory_space<vmem>>)
    %broadcast_in_dim3A_260 = arith.constant 0 : i32
    %broadcast_in_dim3A_261 = vector.broadcast %broadcast_in_dim3A_260 : i32 to vector<16xi32>
    %scan3A_262 = arith.constant 0 : i32
    %scan3A_263 = arith.constant 2048 : i32
    %scan3A_264 = arith.addi %scan3A_262, %scan3A_263 : i32
    %scan3A_265 = arith.constant 4 : i32
    %scan3A_266 = scf.for %scan3A_388 = %scan3A_262 to %scan3A_264 step %scan3A_265 iter_args(%scan3A_389 = %broadcast_in_dim3A_261) -> (vector<16xi32>)  : i32 {
      %mul3A_390 = arith.constant 16 : i32
      %mul3A_391 = arith.muli %scan3A_388, %mul3A_390 : i32
      %get3A_392 = arith.index_cast %mul3A_391 : i32 to index
      %get3A_393 = tpu.vector_load %arg4[%get3A_392] {strides = array<i32>} : memref<32784xf32, #tpu.memory_space<vmem>>, vector<16xf32>,
      %get3A_394 = vector.shape_cast %get3A_393 : vector<16xf32> to vector<16xf32>
      %mul3A_395 = arith.constant 16 : i32
      %mul3A_396 = arith.muli %scan3A_388, %mul3A_395 : i32
      %add3A_397 = arith.constant 5 : i32
      %add3A_398 = arith.addi %mul3A_396, %add3A_397 : i32
      %get3A_399 = arith.index_cast %add3A_398 : i32 to index
      %get3A_400 = tpu.vector_load %arg4[%get3A_399] {strides = array<i32>} : memref<32784xf32, #tpu.memory_space<vmem>>, vector<16xf32>,
      %get3A_401 = vector.shape_cast %get3A_400 : vector<16xf32> to vector<16xf32>
      %mul3A_402 = arith.mulf %get3A_394, %div3A_230 : vector<16xf32>
      %add3A_403 = arith.addf %mul3A_402, %sub3A_235 : vector<16xf32>
      %convert_element_type3A_404 = arith.fptosi %add3A_403 : vector<16xf32> to vector<16xi32>
      %mul3A_405 = arith.mulf %get3A_401, %div3A_230 : vector<16xf32>
      %add3A_406 = arith.addf %mul3A_405, %sub3A_235 : vector<16xf32>
      %convert_element_type3A_407 = arith.fptosi %add3A_406 : vector<16xf32> to vector<16xi32>
      %sub3A_408 = arith.subi %convert_element_type3A_404, %convert_element_type3A_407 : vector<16xi32>
      %rem3A_409 = arith.constant 32 : i32
      %rem3A_410 = arith.remsi %scan3A_388, %rem3A_409 : i32
      %mul3A_411 = arith.constant 16 : i32
      %mul3A_412 = arith.muli %rem3A_410, %mul3A_411 : i32
      %get3A_413 = arith.index_cast %mul3A_412 : i32 to index
      %get3A_414 = tpu.vector_load %arg6[%get3A_413] {strides = array<i32>} : memref<512xi32, #tpu.memory_space<vmem>>, vector<16xi32>,
      %get3A_415 = vector.shape_cast %get3A_414 : vector<16xi32> to vector<16xi32>
      %mul3A_416 = arith.muli %sub3A_408, %sub3A_408 : vector<16xi32>
      %and3A = arith.andi %mul3A_416, %get3A_415 : vector<16xi32>
      %add3A_417 = arith.addi %scan3A_389, %and3A : vector<16xi32>
      %scan3A_418 = arith.constant 1 : i32
      %scan3A_419 = arith.addi %scan3A_388, %scan3A_418 : i32
      %mul3A_420 = arith.constant 16 : i32
      %mul3A_421 = arith.muli %scan3A_419, %mul3A_420 : i32
      %get3A_422 = arith.index_cast %mul3A_421 : i32 to index
      %get3A_423 = tpu.vector_load %arg4[%get3A_422] {strides = array<i32>} : memref<32784xf32, #tpu.memory_space<vmem>>, vector<16xf32>,
      %get3A_424 = vector.shape_cast %get3A_423 : vector<16xf32> to vector<16xf32>
      %mul3A_425 = arith.constant 16 : i32
      %mul3A_426 = arith.muli %scan3A_419, %mul3A_425 : i32
      %add3A_427 = arith.constant 5 : i32
      %add3A_428 = arith.addi %mul3A_426, %add3A_427 : i32
      %get3A_429 = arith.index_cast %add3A_428 : i32 to index
      %get3A_430 = tpu.vector_load %arg4[%get3A_429] {strides = array<i32>} : memref<32784xf32, #tpu.memory_space<vmem>>, vector<16xf32>,
      %get3A_431 = vector.shape_cast %get3A_430 : vector<16xf32> to vector<16xf32>
      %mul3A_432 = arith.mulf %get3A_424, %div3A_230 : vector<16xf32>
      %add3A_433 = arith.addf %mul3A_432, %sub3A_235 : vector<16xf32>
      %convert_element_type3A_434 = arith.fptosi %add3A_433 : vector<16xf32> to vector<16xi32>
      %mul3A_435 = arith.mulf %get3A_431, %div3A_230 : vector<16xf32>
      %add3A_436 = arith.addf %mul3A_435, %sub3A_235 : vector<16xf32>
      %convert_element_type3A_437 = arith.fptosi %add3A_436 : vector<16xf32> to vector<16xi32>
      %sub3A_438 = arith.subi %convert_element_type3A_434, %convert_element_type3A_437 : vector<16xi32>
      %rem3A_439 = arith.constant 32 : i32
      %rem3A_440 = arith.remsi %scan3A_419, %rem3A_439 : i32
      %mul3A_441 = arith.constant 16 : i32
      %mul3A_442 = arith.muli %rem3A_440, %mul3A_441 : i32
      %get3A_443 = arith.index_cast %mul3A_442 : i32 to index
      %get3A_444 = tpu.vector_load %arg6[%get3A_443] {strides = array<i32>} : memref<512xi32, #tpu.memory_space<vmem>>, vector<16xi32>,
      %get3A_445 = vector.shape_cast %get3A_444 : vector<16xi32> to vector<16xi32>
      %mul3A_446 = arith.muli %sub3A_438, %sub3A_438 : vector<16xi32>
      %and3A_447 = arith.andi %mul3A_446, %get3A_445 : vector<16xi32>
      %add3A_448 = arith.addi %add3A_417, %and3A_447 : vector<16xi32>
      %scan3A_449 = arith.constant 2 : i32
      %scan3A_450 = arith.addi %scan3A_388, %scan3A_449 : i32
      %mul3A_451 = arith.constant 16 : i32
      %mul3A_452 = arith.muli %scan3A_450, %mul3A_451 : i32
      %get3A_453 = arith.index_cast %mul3A_452 : i32 to index
      %get3A_454 = tpu.vector_load %arg4[%get3A_453] {strides = array<i32>} : memref<32784xf32, #tpu.memory_space<vmem>>, vector<16xf32>,
      %get3A_455 = vector.shape_cast %get3A_454 : vector<16xf32> to vector<16xf32>
      %mul3A_456 = arith.constant 16 : i32
      %mul3A_457 = arith.muli %scan3A_450, %mul3A_456 : i32
      %add3A_458 = arith.constant 5 : i32
      %add3A_459 = arith.addi %mul3A_457, %add3A_458 : i32
      %get3A_460 = arith.index_cast %add3A_459 : i32 to index
      %get3A_461 = tpu.vector_load %arg4[%get3A_460] {strides = array<i32>} : memref<32784xf32, #tpu.memory_space<vmem>>, vector<16xf32>,
      %get3A_462 = vector.shape_cast %get3A_461 : vector<16xf32> to vector<16xf32>
      %mul3A_463 = arith.mulf %get3A_455, %div3A_230 : vector<16xf32>
      %add3A_464 = arith.addf %mul3A_463, %sub3A_235 : vector<16xf32>
      %convert_element_type3A_465 = arith.fptosi %add3A_464 : vector<16xf32> to vector<16xi32>
      %mul3A_466 = arith.mulf %get3A_462, %div3A_230 : vector<16xf32>
      %add3A_467 = arith.addf %mul3A_466, %sub3A_235 : vector<16xf32>
      %convert_element_type3A_468 = arith.fptosi %add3A_467 : vector<16xf32> to vector<16xi32>
      %sub3A_469 = arith.subi %convert_element_type3A_465, %convert_element_type3A_468 : vector<16xi32>
      %rem3A_470 = arith.constant 32 : i32
      %rem3A_471 = arith.remsi %scan3A_450, %rem3A_470 : i32
      %mul3A_472 = arith.constant 16 : i32
      %mul3A_473 = arith.muli %rem3A_471, %mul3A_472 : i32
      %get3A_474 = arith.index_cast %mul3A_473 : i32 to index
      %get3A_475 = tpu.vector_load %arg6[%get3A_474] {strides = array<i32>} : memref<512xi32, #tpu.memory_space<vmem>>, vector<16xi32>,
      %get3A_476 = vector.shape_cast %get3A_475 : vector<16xi32> to vector<16xi32>
      %mul3A_477 = arith.muli %sub3A_469, %sub3A_469 : vector<16xi32>
      %and3A_478 = arith.andi %mul3A_477, %get3A_476 : vector<16xi32>
      %add3A_479 = arith.addi %add3A_448, %and3A_478 : vector<16xi32>
      %scan3A_480 = arith.constant 3 : i32
      %scan3A_481 = arith.addi %scan3A_388, %scan3A_480 : i32
      %mul3A_482 = arith.constant 16 : i32
      %mul3A_483 = arith.muli %scan3A_481, %mul3A_482 : i32
      %get3A_484 = arith.index_cast %mul3A_483 : i32 to index
      %get3A_485 = tpu.vector_load %arg4[%get3A_484] {strides = array<i32>} : memref<32784xf32, #tpu.memory_space<vmem>>, vector<16xf32>,
      %get3A_486 = vector.shape_cast %get3A_485 : vector<16xf32> to vector<16xf32>
      %mul3A_487 = arith.constant 16 : i32
      %mul3A_488 = arith.muli %scan3A_481, %mul3A_487 : i32
      %add3A_489 = arith.constant 5 : i32
      %add3A_490 = arith.addi %mul3A_488, %add3A_489 : i32
      %get3A_491 = arith.index_cast %add3A_490 : i32 to index
      %get3A_492 = tpu.vector_load %arg4[%get3A_491] {strides = array<i32>} : memref<32784xf32, #tpu.memory_space<vmem>>, vector<16xf32>,
      %get3A_493 = vector.shape_cast %get3A_492 : vector<16xf32> to vector<16xf32>
      %mul3A_494 = arith.mulf %get3A_486, %div3A_230 : vector<16xf32>
      %add3A_495 = arith.addf %mul3A_494, %sub3A_235 : vector<16xf32>
      %convert_element_type3A_496 = arith.fptosi %add3A_495 : vector<16xf32> to vector<16xi32>
      %mul3A_497 = arith.mulf %get3A_493, %div3A_230 : vector<16xf32>
      %add3A_498 = arith.addf %mul3A_497, %sub3A_235 : vector<16xf32>
      %convert_element_type3A_499 = arith.fptosi %add3A_498 : vector<16xf32> to vector<16xi32>
      %sub3A_500 = arith.subi %convert_element_type3A_496, %convert_element_type3A_499 : vector<16xi32>
      %rem3A_501 = arith.constant 32 : i32
      %rem3A_502 = arith.remsi %scan3A_481, %rem3A_501 : i32
      %mul3A_503 = arith.constant 16 : i32
      %mul3A_504 = arith.muli %rem3A_502, %mul3A_503 : i32
      %get3A_505 = arith.index_cast %mul3A_504 : i32 to index
      %get3A_506 = tpu.vector_load %arg6[%get3A_505] {strides = array<i32>} : memref<512xi32, #tpu.memory_space<vmem>>, vector<16xi32>,
      %get3A_507 = vector.shape_cast %get3A_506 : vector<16xi32> to vector<16xi32>
      %mul3A_508 = arith.muli %sub3A_500, %sub3A_500 : vector<16xi32>
      %and3A_509 = arith.andi %mul3A_508, %get3A_507 : vector<16xi32>
      %add3A_510 = arith.addi %add3A_479, %and3A_509 : vector<16xi32>
      scf.yield %add3A_510 : vector<16xi32>
    }
    %scan3A_267 = arith.constant 2048 : i32
    %convert_element_type3A = arith.sitofp %scan3A_266 : vector<16xi32> to vector<16xf32>
    %add3A_268 = arith.addf %broadcast_in_dim3A_253, %convert_element_type3A : vector<16xf32>
    %add3A_269 = arith.constant 65536 : i32
    %add3A_270 = arith.addi %add3A_10, %add3A_269 : i32
    %dma_start3A_271 = arith.constant 0 : i32
    %dma_start3A_272 = tpu.memref_slice %arg4[%dma_start3A_271] : memref<32784xf32, #tpu.memory_space<vmem>> -> memref<32768xf32, #tpu.memory_space<vmem>>
    %dma_start3A_273 = tpu.memref_slice %arg2[%add3A_270] : memref<4194304xf32, #tpu.memory_space<hbm>> -> memref<32768xf32, #tpu.memory_space<hbm>>
    %dma_start3A_274 = arith.constant 0 : i32
    %dma_start3A_275 = tpu.memref_slice %arg4[%dma_start3A_274] : memref<32784xf32, #tpu.memory_space<vmem>> -> memref<32768xf32, #tpu.memory_space<vmem>>
    %dma_start3A_276 = tpu.memref_slice %arg2[%add3A_270] : memref<4194304xf32, #tpu.memory_space<hbm>> -> memref<32768xf32, #tpu.memory_space<hbm>>
    tpu.enqueue_dma source(%dma_start3A_276 : memref<32768xf32, #tpu.memory_space<hbm>>) target(%dma_start3A_275 : memref<32768xf32, #tpu.memory_space<vmem>>) target_semaphore(%arg11 : memref<!tpu.dma_semaphore, #tpu.memory_space<semaphore_mem>>)
    %dma_wait3A_277 = arith.constant 0 : i32
    %dma_wait3A_278 = tpu.memref_slice %arg5[%dma_wait3A_277] : memref<32784xf32, #tpu.memory_space<vmem>> -> memref<32768xf32, #tpu.memory_space<vmem>>
    %dma_wait3A_279 = tpu.memref_slice %arg2[%add3A_245] : memref<4194304xf32, #tpu.memory_space<hbm>> -> memref<32768xf32, #tpu.memory_space<hbm>>
    %dma_wait3A_280 = arith.constant 0 : i32
    %dma_wait3A_281 = tpu.memref_slice %arg5[%dma_wait3A_280] : memref<32784xf32, #tpu.memory_space<vmem>> -> memref<32768xf32, #tpu.memory_space<vmem>>
    %dma_wait3A_282 = tpu.memref_slice %arg2[%add3A_245] : memref<4194304xf32, #tpu.memory_space<hbm>> -> memref<32768xf32, #tpu.memory_space<hbm>>
    tpu.wait_dma2 semaphore(%arg12 : memref<!tpu.dma_semaphore, #tpu.memory_space<semaphore_mem>>) src(%dma_wait3A_282 : memref<32768xf32, #tpu.memory_space<hbm>>) dst(%dma_wait3A_281 : memref<32768xf32, #tpu.memory_space<vmem>>)
    %broadcast_in_dim3A_283 = arith.constant 0 : i32
    %broadcast_in_dim3A_284 = vector.broadcast %broadcast_in_dim3A_283 : i32 to vector<16xi32>
    %scan3A_285 = arith.constant 0 : i32
    %scan3A_286 = arith.constant 2048 : i32
    %scan3A_287 = arith.addi %scan3A_285, %scan3A_286 : i32
    %scan3A_288 = arith.constant 4 : i32
    %scan3A_289 = scf.for %scan3A_388 = %scan3A_285 to %scan3A_287 step %scan3A_288 iter_args(%scan3A_389 = %broadcast_in_dim3A_284) -> (vector<16xi32>)  : i32 {
      %mul3A_390 = arith.constant 16 : i32
      %mul3A_391 = arith.muli %scan3A_388, %mul3A_390 : i32
      %get3A_392 = arith.index_cast %mul3A_391 : i32 to index
      %get3A_393 = tpu.vector_load %arg5[%get3A_392] {strides = array<i32>} : memref<32784xf32, #tpu.memory_space<vmem>>, vector<16xf32>,
      %get3A_394 = vector.shape_cast %get3A_393 : vector<16xf32> to vector<16xf32>
      %mul3A_395 = arith.constant 16 : i32
      %mul3A_396 = arith.muli %scan3A_388, %mul3A_395 : i32
      %add3A_397 = arith.constant 5 : i32
      %add3A_398 = arith.addi %mul3A_396, %add3A_397 : i32
      %get3A_399 = arith.index_cast %add3A_398 : i32 to index
      %get3A_400 = tpu.vector_load %arg5[%get3A_399] {strides = array<i32>} : memref<32784xf32, #tpu.memory_space<vmem>>, vector<16xf32>,
      %get3A_401 = vector.shape_cast %get3A_400 : vector<16xf32> to vector<16xf32>
      %mul3A_402 = arith.mulf %get3A_394, %div3A_230 : vector<16xf32>
      %add3A_403 = arith.addf %mul3A_402, %sub3A_235 : vector<16xf32>
      %convert_element_type3A_404 = arith.fptosi %add3A_403 : vector<16xf32> to vector<16xi32>
      %mul3A_405 = arith.mulf %get3A_401, %div3A_230 : vector<16xf32>
      %add3A_406 = arith.addf %mul3A_405, %sub3A_235 : vector<16xf32>
      %convert_element_type3A_407 = arith.fptosi %add3A_406 : vector<16xf32> to vector<16xi32>
      %sub3A_408 = arith.subi %convert_element_type3A_404, %convert_element_type3A_407 : vector<16xi32>
      %rem3A_409 = arith.constant 32 : i32
      %rem3A_410 = arith.remsi %scan3A_388, %rem3A_409 : i32
      %mul3A_411 = arith.constant 16 : i32
      %mul3A_412 = arith.muli %rem3A_410, %mul3A_411 : i32
      %get3A_413 = arith.index_cast %mul3A_412 : i32 to index
      %get3A_414 = tpu.vector_load %arg6[%get3A_413] {strides = array<i32>} : memref<512xi32, #tpu.memory_space<vmem>>, vector<16xi32>,
      %get3A_415 = vector.shape_cast %get3A_414 : vector<16xi32> to vector<16xi32>
      %mul3A_416 = arith.muli %sub3A_408, %sub3A_408 : vector<16xi32>
      %and3A = arith.andi %mul3A_416, %get3A_415 : vector<16xi32>
      %add3A_417 = arith.addi %scan3A_389, %and3A : vector<16xi32>
      %scan3A_418 = arith.constant 1 : i32
      %scan3A_419 = arith.addi %scan3A_388, %scan3A_418 : i32
      %mul3A_420 = arith.constant 16 : i32
      %mul3A_421 = arith.muli %scan3A_419, %mul3A_420 : i32
      %get3A_422 = arith.index_cast %mul3A_421 : i32 to index
      %get3A_423 = tpu.vector_load %arg5[%get3A_422] {strides = array<i32>} : memref<32784xf32, #tpu.memory_space<vmem>>, vector<16xf32>,
      %get3A_424 = vector.shape_cast %get3A_423 : vector<16xf32> to vector<16xf32>
      %mul3A_425 = arith.constant 16 : i32
      %mul3A_426 = arith.muli %scan3A_419, %mul3A_425 : i32
      %add3A_427 = arith.constant 5 : i32
      %add3A_428 = arith.addi %mul3A_426, %add3A_427 : i32
      %get3A_429 = arith.index_cast %add3A_428 : i32 to index
      %get3A_430 = tpu.vector_load %arg5[%get3A_429] {strides = array<i32>} : memref<32784xf32, #tpu.memory_space<vmem>>, vector<16xf32>,
      %get3A_431 = vector.shape_cast %get3A_430 : vector<16xf32> to vector<16xf32>
      %mul3A_432 = arith.mulf %get3A_424, %div3A_230 : vector<16xf32>
      %add3A_433 = arith.addf %mul3A_432, %sub3A_235 : vector<16xf32>
      %convert_element_type3A_434 = arith.fptosi %add3A_433 : vector<16xf32> to vector<16xi32>
      %mul3A_435 = arith.mulf %get3A_431, %div3A_230 : vector<16xf32>
      %add3A_436 = arith.addf %mul3A_435, %sub3A_235 : vector<16xf32>
      %convert_element_type3A_437 = arith.fptosi %add3A_436 : vector<16xf32> to vector<16xi32>
      %sub3A_438 = arith.subi %convert_element_type3A_434, %convert_element_type3A_437 : vector<16xi32>
      %rem3A_439 = arith.constant 32 : i32
      %rem3A_440 = arith.remsi %scan3A_419, %rem3A_439 : i32
      %mul3A_441 = arith.constant 16 : i32
      %mul3A_442 = arith.muli %rem3A_440, %mul3A_441 : i32
      %get3A_443 = arith.index_cast %mul3A_442 : i32 to index
      %get3A_444 = tpu.vector_load %arg6[%get3A_443] {strides = array<i32>} : memref<512xi32, #tpu.memory_space<vmem>>, vector<16xi32>,
      %get3A_445 = vector.shape_cast %get3A_444 : vector<16xi32> to vector<16xi32>
      %mul3A_446 = arith.muli %sub3A_438, %sub3A_438 : vector<16xi32>
      %and3A_447 = arith.andi %mul3A_446, %get3A_445 : vector<16xi32>
      %add3A_448 = arith.addi %add3A_417, %and3A_447 : vector<16xi32>
      %scan3A_449 = arith.constant 2 : i32
      %scan3A_450 = arith.addi %scan3A_388, %scan3A_449 : i32
      %mul3A_451 = arith.constant 16 : i32
      %mul3A_452 = arith.muli %scan3A_450, %mul3A_451 : i32
      %get3A_453 = arith.index_cast %mul3A_452 : i32 to index
      %get3A_454 = tpu.vector_load %arg5[%get3A_453] {strides = array<i32>} : memref<32784xf32, #tpu.memory_space<vmem>>, vector<16xf32>,
      %get3A_455 = vector.shape_cast %get3A_454 : vector<16xf32> to vector<16xf32>
      %mul3A_456 = arith.constant 16 : i32
      %mul3A_457 = arith.muli %scan3A_450, %mul3A_456 : i32
      %add3A_458 = arith.constant 5 : i32
      %add3A_459 = arith.addi %mul3A_457, %add3A_458 : i32
      %get3A_460 = arith.index_cast %add3A_459 : i32 to index
      %get3A_461 = tpu.vector_load %arg5[%get3A_460] {strides = array<i32>} : memref<32784xf32, #tpu.memory_space<vmem>>, vector<16xf32>,
      %get3A_462 = vector.shape_cast %get3A_461 : vector<16xf32> to vector<16xf32>
      %mul3A_463 = arith.mulf %get3A_455, %div3A_230 : vector<16xf32>
      %add3A_464 = arith.addf %mul3A_463, %sub3A_235 : vector<16xf32>
      %convert_element_type3A_465 = arith.fptosi %add3A_464 : vector<16xf32> to vector<16xi32>
      %mul3A_466 = arith.mulf %get3A_462, %div3A_230 : vector<16xf32>
      %add3A_467 = arith.addf %mul3A_466, %sub3A_235 : vector<16xf32>
      %convert_element_type3A_468 = arith.fptosi %add3A_467 : vector<16xf32> to vector<16xi32>
      %sub3A_469 = arith.subi %convert_element_type3A_465, %convert_element_type3A_468 : vector<16xi32>
      %rem3A_470 = arith.constant 32 : i32
      %rem3A_471 = arith.remsi %scan3A_450, %rem3A_470 : i32
      %mul3A_472 = arith.constant 16 : i32
      %mul3A_473 = arith.muli %rem3A_471, %mul3A_472 : i32
      %get3A_474 = arith.index_cast %mul3A_473 : i32 to index
      %get3A_475 = tpu.vector_load %arg6[%get3A_474] {strides = array<i32>} : memref<512xi32, #tpu.memory_space<vmem>>, vector<16xi32>,
      %get3A_476 = vector.shape_cast %get3A_475 : vector<16xi32> to vector<16xi32>
      %mul3A_477 = arith.muli %sub3A_469, %sub3A_469 : vector<16xi32>
      %and3A_478 = arith.andi %mul3A_477, %get3A_476 : vector<16xi32>
      %add3A_479 = arith.addi %add3A_448, %and3A_478 : vector<16xi32>
      %scan3A_480 = arith.constant 3 : i32
      %scan3A_481 = arith.addi %scan3A_388, %scan3A_480 : i32
      %mul3A_482 = arith.constant 16 : i32
      %mul3A_483 = arith.muli %scan3A_481, %mul3A_482 : i32
      %get3A_484 = arith.index_cast %mul3A_483 : i32 to index
      %get3A_485 = tpu.vector_load %arg5[%get3A_484] {strides = array<i32>} : memref<32784xf32, #tpu.memory_space<vmem>>, vector<16xf32>,
      %get3A_486 = vector.shape_cast %get3A_485 : vector<16xf32> to vector<16xf32>
      %mul3A_487 = arith.constant 16 : i32
      %mul3A_488 = arith.muli %scan3A_481, %mul3A_487 : i32
      %add3A_489 = arith.constant 5 : i32
      %add3A_490 = arith.addi %mul3A_488, %add3A_489 : i32
      %get3A_491 = arith.index_cast %add3A_490 : i32 to index
      %get3A_492 = tpu.vector_load %arg5[%get3A_491] {strides = array<i32>} : memref<32784xf32, #tpu.memory_space<vmem>>, vector<16xf32>,
      %get3A_493 = vector.shape_cast %get3A_492 : vector<16xf32> to vector<16xf32>
      %mul3A_494 = arith.mulf %get3A_486, %div3A_230 : vector<16xf32>
      %add3A_495 = arith.addf %mul3A_494, %sub3A_235 : vector<16xf32>
      %convert_element_type3A_496 = arith.fptosi %add3A_495 : vector<16xf32> to vector<16xi32>
      %mul3A_497 = arith.mulf %get3A_493, %div3A_230 : vector<16xf32>
      %add3A_498 = arith.addf %mul3A_497, %sub3A_235 : vector<16xf32>
      %convert_element_type3A_499 = arith.fptosi %add3A_498 : vector<16xf32> to vector<16xi32>
      %sub3A_500 = arith.subi %convert_element_type3A_496, %convert_element_type3A_499 : vector<16xi32>
      %rem3A_501 = arith.constant 32 : i32
      %rem3A_502 = arith.remsi %scan3A_481, %rem3A_501 : i32
      %mul3A_503 = arith.constant 16 : i32
      %mul3A_504 = arith.muli %rem3A_502, %mul3A_503 : i32
      %get3A_505 = arith.index_cast %mul3A_504 : i32 to index
      %get3A_506 = tpu.vector_load %arg6[%get3A_505] {strides = array<i32>} : memref<512xi32, #tpu.memory_space<vmem>>, vector<16xi32>,
      %get3A_507 = vector.shape_cast %get3A_506 : vector<16xi32> to vector<16xi32>
      %mul3A_508 = arith.muli %sub3A_500, %sub3A_500 : vector<16xi32>
      %and3A_509 = arith.andi %mul3A_508, %get3A_507 : vector<16xi32>
      %add3A_510 = arith.addi %add3A_479, %and3A_509 : vector<16xi32>
      scf.yield %add3A_510 : vector<16xi32>
    }
    %scan3A_290 = arith.constant 2048 : i32
    %convert_element_type3A_291 = arith.sitofp %scan3A_289 : vector<16xi32> to vector<16xf32>
    %add3A_292 = arith.addf %add3A_268, %convert_element_type3A_291 : vector<16xf32>
    %add3A_293 = arith.constant 98304 : i32
    %add3A_294 = arith.addi %add3A_10, %add3A_293 : i32
    %dma_start3A_295 = arith.constant 0 : i32
    %dma_start3A_296 = tpu.memref_slice %arg5[%dma_start3A_295] : memref<32784xf32, #tpu.memory_space<vmem>> -> memref<32768xf32, #tpu.memory_space<vmem>>
    %dma_start3A_297 = tpu.memref_slice %arg2[%add3A_294] : memref<4194304xf32, #tpu.memory_space<hbm>> -> memref<32768xf32, #tpu.memory_space<hbm>>
    %dma_start3A_298 = arith.constant 0 : i32
    %dma_start3A_299 = tpu.memref_slice %arg5[%dma_start3A_298] : memref<32784xf32, #tpu.memory_space<vmem>> -> memref<32768xf32, #tpu.memory_space<vmem>>
    %dma_start3A_300 = tpu.memref_slice %arg2[%add3A_294] : memref<4194304xf32, #tpu.memory_space<hbm>> -> memref<32768xf32, #tpu.memory_space<hbm>>
    tpu.enqueue_dma source(%dma_start3A_300 : memref<32768xf32, #tpu.memory_space<hbm>>) target(%dma_start3A_299 : memref<32768xf32, #tpu.memory_space<vmem>>) target_semaphore(%arg12 : memref<!tpu.dma_semaphore, #tpu.memory_space<semaphore_mem>>)
    %dma_wait3A_301 = arith.constant 0 : i32
    %dma_wait3A_302 = tpu.memref_slice %arg4[%dma_wait3A_301] : memref<32784xf32, #tpu.memory_space<vmem>> -> memref<32768xf32, #tpu.memory_space<vmem>>
    %dma_wait3A_303 = tpu.memref_slice %arg2[%add3A_270] : memref<4194304xf32, #tpu.memory_space<hbm>> -> memref<32768xf32, #tpu.memory_space<hbm>>
    %dma_wait3A_304 = arith.constant 0 : i32
    %dma_wait3A_305 = tpu.memref_slice %arg4[%dma_wait3A_304] : memref<32784xf32, #tpu.memory_space<vmem>> -> memref<32768xf32, #tpu.memory_space<vmem>>
    %dma_wait3A_306 = tpu.memref_slice %arg2[%add3A_270] : memref<4194304xf32, #tpu.memory_space<hbm>> -> memref<32768xf32, #tpu.memory_space<hbm>>
    tpu.wait_dma2 semaphore(%arg11 : memref<!tpu.dma_semaphore, #tpu.memory_space<semaphore_mem>>) src(%dma_wait3A_306 : memref<32768xf32, #tpu.memory_space<hbm>>) dst(%dma_wait3A_305 : memref<32768xf32, #tpu.memory_space<vmem>>)
    %broadcast_in_dim3A_307 = arith.constant 0 : i32
    %broadcast_in_dim3A_308 = vector.broadcast %broadcast_in_dim3A_307 : i32 to vector<16xi32>
    %scan3A_309 = arith.constant 0 : i32
    %scan3A_310 = arith.constant 2048 : i32
    %scan3A_311 = arith.addi %scan3A_309, %scan3A_310 : i32
    %scan3A_312 = arith.constant 4 : i32
    %scan3A_313 = scf.for %scan3A_388 = %scan3A_309 to %scan3A_311 step %scan3A_312 iter_args(%scan3A_389 = %broadcast_in_dim3A_308) -> (vector<16xi32>)  : i32 {
      %mul3A_390 = arith.constant 16 : i32
      %mul3A_391 = arith.muli %scan3A_388, %mul3A_390 : i32
      %get3A_392 = arith.index_cast %mul3A_391 : i32 to index
      %get3A_393 = tpu.vector_load %arg4[%get3A_392] {strides = array<i32>} : memref<32784xf32, #tpu.memory_space<vmem>>, vector<16xf32>,
      %get3A_394 = vector.shape_cast %get3A_393 : vector<16xf32> to vector<16xf32>
      %mul3A_395 = arith.constant 16 : i32
      %mul3A_396 = arith.muli %scan3A_388, %mul3A_395 : i32
      %add3A_397 = arith.constant 5 : i32
      %add3A_398 = arith.addi %mul3A_396, %add3A_397 : i32
      %get3A_399 = arith.index_cast %add3A_398 : i32 to index
      %get3A_400 = tpu.vector_load %arg4[%get3A_399] {strides = array<i32>} : memref<32784xf32, #tpu.memory_space<vmem>>, vector<16xf32>,
      %get3A_401 = vector.shape_cast %get3A_400 : vector<16xf32> to vector<16xf32>
      %mul3A_402 = arith.mulf %get3A_394, %div3A_230 : vector<16xf32>
      %add3A_403 = arith.addf %mul3A_402, %sub3A_235 : vector<16xf32>
      %convert_element_type3A_404 = arith.fptosi %add3A_403 : vector<16xf32> to vector<16xi32>
      %mul3A_405 = arith.mulf %get3A_401, %div3A_230 : vector<16xf32>
      %add3A_406 = arith.addf %mul3A_405, %sub3A_235 : vector<16xf32>
      %convert_element_type3A_407 = arith.fptosi %add3A_406 : vector<16xf32> to vector<16xi32>
      %sub3A_408 = arith.subi %convert_element_type3A_404, %convert_element_type3A_407 : vector<16xi32>
      %rem3A_409 = arith.constant 32 : i32
      %rem3A_410 = arith.remsi %scan3A_388, %rem3A_409 : i32
      %mul3A_411 = arith.constant 16 : i32
      %mul3A_412 = arith.muli %rem3A_410, %mul3A_411 : i32
      %get3A_413 = arith.index_cast %mul3A_412 : i32 to index
      %get3A_414 = tpu.vector_load %arg6[%get3A_413] {strides = array<i32>} : memref<512xi32, #tpu.memory_space<vmem>>, vector<16xi32>,
      %get3A_415 = vector.shape_cast %get3A_414 : vector<16xi32> to vector<16xi32>
      %mul3A_416 = arith.muli %sub3A_408, %sub3A_408 : vector<16xi32>
      %and3A = arith.andi %mul3A_416, %get3A_415 : vector<16xi32>
      %add3A_417 = arith.addi %scan3A_389, %and3A : vector<16xi32>
      %scan3A_418 = arith.constant 1 : i32
      %scan3A_419 = arith.addi %scan3A_388, %scan3A_418 : i32
      %mul3A_420 = arith.constant 16 : i32
      %mul3A_421 = arith.muli %scan3A_419, %mul3A_420 : i32
      %get3A_422 = arith.index_cast %mul3A_421 : i32 to index
      %get3A_423 = tpu.vector_load %arg4[%get3A_422] {strides = array<i32>} : memref<32784xf32, #tpu.memory_space<vmem>>, vector<16xf32>,
      %get3A_424 = vector.shape_cast %get3A_423 : vector<16xf32> to vector<16xf32>
      %mul3A_425 = arith.constant 16 : i32
      %mul3A_426 = arith.muli %scan3A_419, %mul3A_425 : i32
      %add3A_427 = arith.constant 5 : i32
      %add3A_428 = arith.addi %mul3A_426, %add3A_427 : i32
      %get3A_429 = arith.index_cast %add3A_428 : i32 to index
      %get3A_430 = tpu.vector_load %arg4[%get3A_429] {strides = array<i32>} : memref<32784xf32, #tpu.memory_space<vmem>>, vector<16xf32>,
      %get3A_431 = vector.shape_cast %get3A_430 : vector<16xf32> to vector<16xf32>
      %mul3A_432 = arith.mulf %get3A_424, %div3A_230 : vector<16xf32>
      %add3A_433 = arith.addf %mul3A_432, %sub3A_235 : vector<16xf32>
      %convert_element_type3A_434 = arith.fptosi %add3A_433 : vector<16xf32> to vector<16xi32>
      %mul3A_435 = arith.mulf %get3A_431, %div3A_230 : vector<16xf32>
      %add3A_436 = arith.addf %mul3A_435, %sub3A_235 : vector<16xf32>
      %convert_element_type3A_437 = arith.fptosi %add3A_436 : vector<16xf32> to vector<16xi32>
      %sub3A_438 = arith.subi %convert_element_type3A_434, %convert_element_type3A_437 : vector<16xi32>
      %rem3A_439 = arith.constant 32 : i32
      %rem3A_440 = arith.remsi %scan3A_419, %rem3A_439 : i32
      %mul3A_441 = arith.constant 16 : i32
      %mul3A_442 = arith.muli %rem3A_440, %mul3A_441 : i32
      %get3A_443 = arith.index_cast %mul3A_442 : i32 to index
      %get3A_444 = tpu.vector_load %arg6[%get3A_443] {strides = array<i32>} : memref<512xi32, #tpu.memory_space<vmem>>, vector<16xi32>,
      %get3A_445 = vector.shape_cast %get3A_444 : vector<16xi32> to vector<16xi32>
      %mul3A_446 = arith.muli %sub3A_438, %sub3A_438 : vector<16xi32>
      %and3A_447 = arith.andi %mul3A_446, %get3A_445 : vector<16xi32>
      %add3A_448 = arith.addi %add3A_417, %and3A_447 : vector<16xi32>
      %scan3A_449 = arith.constant 2 : i32
      %scan3A_450 = arith.addi %scan3A_388, %scan3A_449 : i32
      %mul3A_451 = arith.constant 16 : i32
      %mul3A_452 = arith.muli %scan3A_450, %mul3A_451 : i32
      %get3A_453 = arith.index_cast %mul3A_452 : i32 to index
      %get3A_454 = tpu.vector_load %arg4[%get3A_453] {strides = array<i32>} : memref<32784xf32, #tpu.memory_space<vmem>>, vector<16xf32>,
      %get3A_455 = vector.shape_cast %get3A_454 : vector<16xf32> to vector<16xf32>
      %mul3A_456 = arith.constant 16 : i32
      %mul3A_457 = arith.muli %scan3A_450, %mul3A_456 : i32
      %add3A_458 = arith.constant 5 : i32
      %add3A_459 = arith.addi %mul3A_457, %add3A_458 : i32
      %get3A_460 = arith.index_cast %add3A_459 : i32 to index
      %get3A_461 = tpu.vector_load %arg4[%get3A_460] {strides = array<i32>} : memref<32784xf32, #tpu.memory_space<vmem>>, vector<16xf32>,
      %get3A_462 = vector.shape_cast %get3A_461 : vector<16xf32> to vector<16xf32>
      %mul3A_463 = arith.mulf %get3A_455, %div3A_230 : vector<16xf32>
      %add3A_464 = arith.addf %mul3A_463, %sub3A_235 : vector<16xf32>
      %convert_element_type3A_465 = arith.fptosi %add3A_464 : vector<16xf32> to vector<16xi32>
      %mul3A_466 = arith.mulf %get3A_462, %div3A_230 : vector<16xf32>
      %add3A_467 = arith.addf %mul3A_466, %sub3A_235 : vector<16xf32>
      %convert_element_type3A_468 = arith.fptosi %add3A_467 : vector<16xf32> to vector<16xi32>
      %sub3A_469 = arith.subi %convert_element_type3A_465, %convert_element_type3A_468 : vector<16xi32>
      %rem3A_470 = arith.constant 32 : i32
      %rem3A_471 = arith.remsi %scan3A_450, %rem3A_470 : i32
      %mul3A_472 = arith.constant 16 : i32
      %mul3A_473 = arith.muli %rem3A_471, %mul3A_472 : i32
      %get3A_474 = arith.index_cast %mul3A_473 : i32 to index
      %get3A_475 = tpu.vector_load %arg6[%get3A_474] {strides = array<i32>} : memref<512xi32, #tpu.memory_space<vmem>>, vector<16xi32>,
      %get3A_476 = vector.shape_cast %get3A_475 : vector<16xi32> to vector<16xi32>
      %mul3A_477 = arith.muli %sub3A_469, %sub3A_469 : vector<16xi32>
      %and3A_478 = arith.andi %mul3A_477, %get3A_476 : vector<16xi32>
      %add3A_479 = arith.addi %add3A_448, %and3A_478 : vector<16xi32>
      %scan3A_480 = arith.constant 3 : i32
      %scan3A_481 = arith.addi %scan3A_388, %scan3A_480 : i32
      %mul3A_482 = arith.constant 16 : i32
      %mul3A_483 = arith.muli %scan3A_481, %mul3A_482 : i32
      %get3A_484 = arith.index_cast %mul3A_483 : i32 to index
      %get3A_485 = tpu.vector_load %arg4[%get3A_484] {strides = array<i32>} : memref<32784xf32, #tpu.memory_space<vmem>>, vector<16xf32>,
      %get3A_486 = vector.shape_cast %get3A_485 : vector<16xf32> to vector<16xf32>
      %mul3A_487 = arith.constant 16 : i32
      %mul3A_488 = arith.muli %scan3A_481, %mul3A_487 : i32
      %add3A_489 = arith.constant 5 : i32
      %add3A_490 = arith.addi %mul3A_488, %add3A_489 : i32
      %get3A_491 = arith.index_cast %add3A_490 : i32 to index
      %get3A_492 = tpu.vector_load %arg4[%get3A_491] {strides = array<i32>} : memref<32784xf32, #tpu.memory_space<vmem>>, vector<16xf32>,
      %get3A_493 = vector.shape_cast %get3A_492 : vector<16xf32> to vector<16xf32>
      %mul3A_494 = arith.mulf %get3A_486, %div3A_230 : vector<16xf32>
      %add3A_495 = arith.addf %mul3A_494, %sub3A_235 : vector<16xf32>
      %convert_element_type3A_496 = arith.fptosi %add3A_495 : vector<16xf32> to vector<16xi32>
      %mul3A_497 = arith.mulf %get3A_493, %div3A_230 : vector<16xf32>
      %add3A_498 = arith.addf %mul3A_497, %sub3A_235 : vector<16xf32>
      %convert_element_type3A_499 = arith.fptosi %add3A_498 : vector<16xf32> to vector<16xi32>
      %sub3A_500 = arith.subi %convert_element_type3A_496, %convert_element_type3A_499 : vector<16xi32>
      %rem3A_501 = arith.constant 32 : i32
      %rem3A_502 = arith.remsi %scan3A_481, %rem3A_501 : i32
      %mul3A_503 = arith.constant 16 : i32
      %mul3A_504 = arith.muli %rem3A_502, %mul3A_503 : i32
      %get3A_505 = arith.index_cast %mul3A_504 : i32 to index
      %get3A_506 = tpu.vector_load %arg6[%get3A_505] {strides = array<i32>} : memref<512xi32, #tpu.memory_space<vmem>>, vector<16xi32>,
      %get3A_507 = vector.shape_cast %get3A_506 : vector<16xi32> to vector<16xi32>
      %mul3A_508 = arith.muli %sub3A_500, %sub3A_500 : vector<16xi32>
      %and3A_509 = arith.andi %mul3A_508, %get3A_507 : vector<16xi32>
      %add3A_510 = arith.addi %add3A_479, %and3A_509 : vector<16xi32>
      scf.yield %add3A_510 : vector<16xi32>
    }
    %scan3A_314 = arith.constant 2048 : i32
    %convert_element_type3A_315 = arith.sitofp %scan3A_313 : vector<16xi32> to vector<16xf32>
    %add3A_316 = arith.addf %add3A_292, %convert_element_type3A_315 : vector<16xf32>
    %dma_wait3A_317 = arith.constant 0 : i32
    %dma_wait3A_318 = tpu.memref_slice %arg5[%dma_wait3A_317] : memref<32784xf32, #tpu.memory_space<vmem>> -> memref<32768xf32, #tpu.memory_space<vmem>>
    %dma_wait3A_319 = tpu.memref_slice %arg2[%add3A_294] : memref<4194304xf32, #tpu.memory_space<hbm>> -> memref<32768xf32, #tpu.memory_space<hbm>>
    %dma_wait3A_320 = arith.constant 0 : i32
    %dma_wait3A_321 = tpu.memref_slice %arg5[%dma_wait3A_320] : memref<32784xf32, #tpu.memory_space<vmem>> -> memref<32768xf32, #tpu.memory_space<vmem>>
    %dma_wait3A_322 = tpu.memref_slice %arg2[%add3A_294] : memref<4194304xf32, #tpu.memory_space<hbm>> -> memref<32768xf32, #tpu.memory_space<hbm>>
    tpu.wait_dma2 semaphore(%arg12 : memref<!tpu.dma_semaphore, #tpu.memory_space<semaphore_mem>>) src(%dma_wait3A_322 : memref<32768xf32, #tpu.memory_space<hbm>>) dst(%dma_wait3A_321 : memref<32768xf32, #tpu.memory_space<vmem>>)
    %broadcast_in_dim3A_323 = arith.constant 0 : i32
    %broadcast_in_dim3A_324 = vector.broadcast %broadcast_in_dim3A_323 : i32 to vector<16xi32>
    %scan3A_325 = arith.constant 0 : i32
    %scan3A_326 = arith.constant 2048 : i32
    %scan3A_327 = arith.addi %scan3A_325, %scan3A_326 : i32
    %scan3A_328 = arith.constant 4 : i32
    %scan3A_329 = scf.for %scan3A_388 = %scan3A_325 to %scan3A_327 step %scan3A_328 iter_args(%scan3A_389 = %broadcast_in_dim3A_324) -> (vector<16xi32>)  : i32 {
      %mul3A_390 = arith.constant 16 : i32
      %mul3A_391 = arith.muli %scan3A_388, %mul3A_390 : i32
      %get3A_392 = arith.index_cast %mul3A_391 : i32 to index
      %get3A_393 = tpu.vector_load %arg5[%get3A_392] {strides = array<i32>} : memref<32784xf32, #tpu.memory_space<vmem>>, vector<16xf32>,
      %get3A_394 = vector.shape_cast %get3A_393 : vector<16xf32> to vector<16xf32>
      %mul3A_395 = arith.constant 16 : i32
      %mul3A_396 = arith.muli %scan3A_388, %mul3A_395 : i32
      %add3A_397 = arith.constant 5 : i32
      %add3A_398 = arith.addi %mul3A_396, %add3A_397 : i32
      %get3A_399 = arith.index_cast %add3A_398 : i32 to index
      %get3A_400 = tpu.vector_load %arg5[%get3A_399] {strides = array<i32>} : memref<32784xf32, #tpu.memory_space<vmem>>, vector<16xf32>,
      %get3A_401 = vector.shape_cast %get3A_400 : vector<16xf32> to vector<16xf32>
      %mul3A_402 = arith.mulf %get3A_394, %div3A_230 : vector<16xf32>
      %add3A_403 = arith.addf %mul3A_402, %sub3A_235 : vector<16xf32>
      %convert_element_type3A_404 = arith.fptosi %add3A_403 : vector<16xf32> to vector<16xi32>
      %mul3A_405 = arith.mulf %get3A_401, %div3A_230 : vector<16xf32>
      %add3A_406 = arith.addf %mul3A_405, %sub3A_235 : vector<16xf32>
      %convert_element_type3A_407 = arith.fptosi %add3A_406 : vector<16xf32> to vector<16xi32>
      %sub3A_408 = arith.subi %convert_element_type3A_404, %convert_element_type3A_407 : vector<16xi32>
      %rem3A_409 = arith.constant 32 : i32
      %rem3A_410 = arith.remsi %scan3A_388, %rem3A_409 : i32
      %mul3A_411 = arith.constant 16 : i32
      %mul3A_412 = arith.muli %rem3A_410, %mul3A_411 : i32
      %get3A_413 = arith.index_cast %mul3A_412 : i32 to index
      %get3A_414 = tpu.vector_load %arg6[%get3A_413] {strides = array<i32>} : memref<512xi32, #tpu.memory_space<vmem>>, vector<16xi32>,
      %get3A_415 = vector.shape_cast %get3A_414 : vector<16xi32> to vector<16xi32>
      %mul3A_416 = arith.muli %sub3A_408, %sub3A_408 : vector<16xi32>
      %and3A = arith.andi %mul3A_416, %get3A_415 : vector<16xi32>
      %add3A_417 = arith.addi %scan3A_389, %and3A : vector<16xi32>
      %scan3A_418 = arith.constant 1 : i32
      %scan3A_419 = arith.addi %scan3A_388, %scan3A_418 : i32
      %mul3A_420 = arith.constant 16 : i32
      %mul3A_421 = arith.muli %scan3A_419, %mul3A_420 : i32
      %get3A_422 = arith.index_cast %mul3A_421 : i32 to index
      %get3A_423 = tpu.vector_load %arg5[%get3A_422] {strides = array<i32>} : memref<32784xf32, #tpu.memory_space<vmem>>, vector<16xf32>,
      %get3A_424 = vector.shape_cast %get3A_423 : vector<16xf32> to vector<16xf32>
      %mul3A_425 = arith.constant 16 : i32
      %mul3A_426 = arith.muli %scan3A_419, %mul3A_425 : i32
      %add3A_427 = arith.constant 5 : i32
      %add3A_428 = arith.addi %mul3A_426, %add3A_427 : i32
      %get3A_429 = arith.index_cast %add3A_428 : i32 to index
      %get3A_430 = tpu.vector_load %arg5[%get3A_429] {strides = array<i32>} : memref<32784xf32, #tpu.memory_space<vmem>>, vector<16xf32>,
      %get3A_431 = vector.shape_cast %get3A_430 : vector<16xf32> to vector<16xf32>
      %mul3A_432 = arith.mulf %get3A_424, %div3A_230 : vector<16xf32>
      %add3A_433 = arith.addf %mul3A_432, %sub3A_235 : vector<16xf32>
      %convert_element_type3A_434 = arith.fptosi %add3A_433 : vector<16xf32> to vector<16xi32>
      %mul3A_435 = arith.mulf %get3A_431, %div3A_230 : vector<16xf32>
      %add3A_436 = arith.addf %mul3A_435, %sub3A_235 : vector<16xf32>
      %convert_element_type3A_437 = arith.fptosi %add3A_436 : vector<16xf32> to vector<16xi32>
      %sub3A_438 = arith.subi %convert_element_type3A_434, %convert_element_type3A_437 : vector<16xi32>
      %rem3A_439 = arith.constant 32 : i32
      %rem3A_440 = arith.remsi %scan3A_419, %rem3A_439 : i32
      %mul3A_441 = arith.constant 16 : i32
      %mul3A_442 = arith.muli %rem3A_440, %mul3A_441 : i32
      %get3A_443 = arith.index_cast %mul3A_442 : i32 to index
      %get3A_444 = tpu.vector_load %arg6[%get3A_443] {strides = array<i32>} : memref<512xi32, #tpu.memory_space<vmem>>, vector<16xi32>,
      %get3A_445 = vector.shape_cast %get3A_444 : vector<16xi32> to vector<16xi32>
      %mul3A_446 = arith.muli %sub3A_438, %sub3A_438 : vector<16xi32>
      %and3A_447 = arith.andi %mul3A_446, %get3A_445 : vector<16xi32>
      %add3A_448 = arith.addi %add3A_417, %and3A_447 : vector<16xi32>
      %scan3A_449 = arith.constant 2 : i32
      %scan3A_450 = arith.addi %scan3A_388, %scan3A_449 : i32
      %mul3A_451 = arith.constant 16 : i32
      %mul3A_452 = arith.muli %scan3A_450, %mul3A_451 : i32
      %get3A_453 = arith.index_cast %mul3A_452 : i32 to index
      %get3A_454 = tpu.vector_load %arg5[%get3A_453] {strides = array<i32>} : memref<32784xf32, #tpu.memory_space<vmem>>, vector<16xf32>,
      %get3A_455 = vector.shape_cast %get3A_454 : vector<16xf32> to vector<16xf32>
      %mul3A_456 = arith.constant 16 : i32
      %mul3A_457 = arith.muli %scan3A_450, %mul3A_456 : i32
      %add3A_458 = arith.constant 5 : i32
      %add3A_459 = arith.addi %mul3A_457, %add3A_458 : i32
      %get3A_460 = arith.index_cast %add3A_459 : i32 to index
      %get3A_461 = tpu.vector_load %arg5[%get3A_460] {strides = array<i32>} : memref<32784xf32, #tpu.memory_space<vmem>>, vector<16xf32>,
      %get3A_462 = vector.shape_cast %get3A_461 : vector<16xf32> to vector<16xf32>
      %mul3A_463 = arith.mulf %get3A_455, %div3A_230 : vector<16xf32>
      %add3A_464 = arith.addf %mul3A_463, %sub3A_235 : vector<16xf32>
      %convert_element_type3A_465 = arith.fptosi %add3A_464 : vector<16xf32> to vector<16xi32>
      %mul3A_466 = arith.mulf %get3A_462, %div3A_230 : vector<16xf32>
      %add3A_467 = arith.addf %mul3A_466, %sub3A_235 : vector<16xf32>
      %convert_element_type3A_468 = arith.fptosi %add3A_467 : vector<16xf32> to vector<16xi32>
      %sub3A_469 = arith.subi %convert_element_type3A_465, %convert_element_type3A_468 : vector<16xi32>
      %rem3A_470 = arith.constant 32 : i32
      %rem3A_471 = arith.remsi %scan3A_450, %rem3A_470 : i32
      %mul3A_472 = arith.constant 16 : i32
      %mul3A_473 = arith.muli %rem3A_471, %mul3A_472 : i32
      %get3A_474 = arith.index_cast %mul3A_473 : i32 to index
      %get3A_475 = tpu.vector_load %arg6[%get3A_474] {strides = array<i32>} : memref<512xi32, #tpu.memory_space<vmem>>, vector<16xi32>,
      %get3A_476 = vector.shape_cast %get3A_475 : vector<16xi32> to vector<16xi32>
      %mul3A_477 = arith.muli %sub3A_469, %sub3A_469 : vector<16xi32>
      %and3A_478 = arith.andi %mul3A_477, %get3A_476 : vector<16xi32>
      %add3A_479 = arith.addi %add3A_448, %and3A_478 : vector<16xi32>
      %scan3A_480 = arith.constant 3 : i32
      %scan3A_481 = arith.addi %scan3A_388, %scan3A_480 : i32
      %mul3A_482 = arith.constant 16 : i32
      %mul3A_483 = arith.muli %scan3A_481, %mul3A_482 : i32
      %get3A_484 = arith.index_cast %mul3A_483 : i32 to index
      %get3A_485 = tpu.vector_load %arg5[%get3A_484] {strides = array<i32>} : memref<32784xf32, #tpu.memory_space<vmem>>, vector<16xf32>,
      %get3A_486 = vector.shape_cast %get3A_485 : vector<16xf32> to vector<16xf32>
      %mul3A_487 = arith.constant 16 : i32
      %mul3A_488 = arith.muli %scan3A_481, %mul3A_487 : i32
      %add3A_489 = arith.constant 5 : i32
      %add3A_490 = arith.addi %mul3A_488, %add3A_489 : i32
      %get3A_491 = arith.index_cast %add3A_490 : i32 to index
      %get3A_492 = tpu.vector_load %arg5[%get3A_491] {strides = array<i32>} : memref<32784xf32, #tpu.memory_space<vmem>>, vector<16xf32>,
      %get3A_493 = vector.shape_cast %get3A_492 : vector<16xf32> to vector<16xf32>
      %mul3A_494 = arith.mulf %get3A_486, %div3A_230 : vector<16xf32>
      %add3A_495 = arith.addf %mul3A_494, %sub3A_235 : vector<16xf32>
      %convert_element_type3A_496 = arith.fptosi %add3A_495 : vector<16xf32> to vector<16xi32>
      %mul3A_497 = arith.mulf %get3A_493, %div3A_230 : vector<16xf32>
      %add3A_498 = arith.addf %mul3A_497, %sub3A_235 : vector<16xf32>
      %convert_element_type3A_499 = arith.fptosi %add3A_498 : vector<16xf32> to vector<16xi32>
      %sub3A_500 = arith.subi %convert_element_type3A_496, %convert_element_type3A_499 : vector<16xi32>
      %rem3A_501 = arith.constant 32 : i32
      %rem3A_502 = arith.remsi %scan3A_481, %rem3A_501 : i32
      %mul3A_503 = arith.constant 16 : i32
      %mul3A_504 = arith.muli %rem3A_502, %mul3A_503 : i32
      %get3A_505 = arith.index_cast %mul3A_504 : i32 to index
      %get3A_506 = tpu.vector_load %arg6[%get3A_505] {strides = array<i32>} : memref<512xi32, #tpu.memory_space<vmem>>, vector<16xi32>,
      %get3A_507 = vector.shape_cast %get3A_506 : vector<16xi32> to vector<16xi32>
      %mul3A_508 = arith.muli %sub3A_500, %sub3A_500 : vector<16xi32>
      %and3A_509 = arith.andi %mul3A_508, %get3A_507 : vector<16xi32>
      %add3A_510 = arith.addi %add3A_479, %and3A_509 : vector<16xi32>
      scf.yield %add3A_510 : vector<16xi32>
    }
    %scan3A_330 = arith.constant 2048 : i32
    %convert_element_type3A_331 = arith.sitofp %scan3A_329 : vector<16xi32> to vector<16xf32>
    %add3A_332 = arith.addf %add3A_316, %convert_element_type3A_331 : vector<16xf32>
    %slice3A_333 = vector.extract_strided_slice %add3A_332 {offsets = [0], sizes = [1], strides = [1]} : vector<16xf32> to vector<1xf32>
    %squeeze3A_334 = vector.extract %slice3A_333[0] : f32 from vector<1xf32>
    %slice3A_335 = vector.extract_strided_slice %add3A_332 {offsets = [1], sizes = [1], strides = [1]} : vector<16xf32> to vector<1xf32>
    %squeeze3A_336 = vector.extract %slice3A_335[0] : f32 from vector<1xf32>
    %add3A_337 = arith.addf %squeeze3A_334, %squeeze3A_336 : f32
    %slice3A_338 = vector.extract_strided_slice %add3A_332 {offsets = [2], sizes = [1], strides = [1]} : vector<16xf32> to vector<1xf32>
    %squeeze3A_339 = vector.extract %slice3A_338[0] : f32 from vector<1xf32>
    %add3A_340 = arith.addf %add3A_337, %squeeze3A_339 : f32
    %slice3A_341 = vector.extract_strided_slice %add3A_332 {offsets = [3], sizes = [1], strides = [1]} : vector<16xf32> to vector<1xf32>
    %squeeze3A_342 = vector.extract %slice3A_341[0] : f32 from vector<1xf32>
    %add3A_343 = arith.addf %add3A_340, %squeeze3A_342 : f32
    %slice3A_344 = vector.extract_strided_slice %add3A_332 {offsets = [4], sizes = [1], strides = [1]} : vector<16xf32> to vector<1xf32>
    %squeeze3A_345 = vector.extract %slice3A_344[0] : f32 from vector<1xf32>
    %add3A_346 = arith.addf %add3A_343, %squeeze3A_345 : f32
    %slice3A_347 = vector.extract_strided_slice %add3A_332 {offsets = [5], sizes = [1], strides = [1]} : vector<16xf32> to vector<1xf32>
    %squeeze3A_348 = vector.extract %slice3A_347[0] : f32 from vector<1xf32>
    %add3A_349 = arith.addf %add3A_346, %squeeze3A_348 : f32
    %slice3A_350 = vector.extract_strided_slice %add3A_332 {offsets = [6], sizes = [1], strides = [1]} : vector<16xf32> to vector<1xf32>
    %squeeze3A_351 = vector.extract %slice3A_350[0] : f32 from vector<1xf32>
    %add3A_352 = arith.addf %add3A_349, %squeeze3A_351 : f32
    %slice3A_353 = vector.extract_strided_slice %add3A_332 {offsets = [7], sizes = [1], strides = [1]} : vector<16xf32> to vector<1xf32>
    %squeeze3A_354 = vector.extract %slice3A_353[0] : f32 from vector<1xf32>
    %add3A_355 = arith.addf %add3A_352, %squeeze3A_354 : f32
    %slice3A_356 = vector.extract_strided_slice %add3A_332 {offsets = [8], sizes = [1], strides = [1]} : vector<16xf32> to vector<1xf32>
    %squeeze3A_357 = vector.extract %slice3A_356[0] : f32 from vector<1xf32>
    %add3A_358 = arith.addf %add3A_355, %squeeze3A_357 : f32
    %slice3A_359 = vector.extract_strided_slice %add3A_332 {offsets = [9], sizes = [1], strides = [1]} : vector<16xf32> to vector<1xf32>
    %squeeze3A_360 = vector.extract %slice3A_359[0] : f32 from vector<1xf32>
    %add3A_361 = arith.addf %add3A_358, %squeeze3A_360 : f32
    %slice3A_362 = vector.extract_strided_slice %add3A_332 {offsets = [10], sizes = [1], strides = [1]} : vector<16xf32> to vector<1xf32>
    %squeeze3A_363 = vector.extract %slice3A_362[0] : f32 from vector<1xf32>
    %add3A_364 = arith.addf %add3A_361, %squeeze3A_363 : f32
    %slice3A_365 = vector.extract_strided_slice %add3A_332 {offsets = [11], sizes = [1], strides = [1]} : vector<16xf32> to vector<1xf32>
    %squeeze3A_366 = vector.extract %slice3A_365[0] : f32 from vector<1xf32>
    %add3A_367 = arith.addf %add3A_364, %squeeze3A_366 : f32
    %slice3A_368 = vector.extract_strided_slice %add3A_332 {offsets = [12], sizes = [1], strides = [1]} : vector<16xf32> to vector<1xf32>
    %squeeze3A_369 = vector.extract %slice3A_368[0] : f32 from vector<1xf32>
    %add3A_370 = arith.addf %add3A_367, %squeeze3A_369 : f32
    %slice3A_371 = vector.extract_strided_slice %add3A_332 {offsets = [13], sizes = [1], strides = [1]} : vector<16xf32> to vector<1xf32>
    %squeeze3A_372 = vector.extract %slice3A_371[0] : f32 from vector<1xf32>
    %add3A_373 = arith.addf %add3A_370, %squeeze3A_372 : f32
    %slice3A_374 = vector.extract_strided_slice %add3A_332 {offsets = [14], sizes = [1], strides = [1]} : vector<16xf32> to vector<1xf32>
    %squeeze3A_375 = vector.extract %slice3A_374[0] : f32 from vector<1xf32>
    %add3A_376 = arith.addf %add3A_373, %squeeze3A_375 : f32
    %slice3A_377 = vector.extract_strided_slice %add3A_332 {offsets = [15], sizes = [1], strides = [1]} : vector<16xf32> to vector<1xf32>
    %squeeze3A_378 = vector.extract %slice3A_377[0] : f32 from vector<1xf32>
    %add3A_379 = arith.addf %add3A_376, %squeeze3A_378 : f32
    %eq3A = arith.constant 0 : i32
    %eq3A_380 = vector.broadcast %eq3A : i32 to vector<16xi32>
    %eq3A_381 = arith.cmpi eq, %iota3A, %eq3A_380 : vector<16xi32>
    %jit3A = arith.constant 0.000000e+00 : f32
    %broadcast_in_dim3A_382 = vector.broadcast %add3A_379 : f32 to vector<16xf32>
    %broadcast_in_dim3A_383 = vector.broadcast %jit3A : f32 to vector<16xf32>
    %select_n3A = arith.select %eq3A_381, %broadcast_in_dim3A_382, %broadcast_in_dim3A_383 : vector<16xi1>, vector<16xf32>
    %swap3A_384 = arith.constant 0 : index
    %swap3A_385 = tpu.vector_load %arg7[%swap3A_384] {strides = array<i32>} : memref<16xf32, #tpu.memory_space<vmem>>, vector<16xf32>,
    %swap3A_386 = vector.shape_cast %swap3A_385 : vector<16xf32> to vector<16xf32>
    %swap3A_387 = vector.shape_cast %select_n3A : vector<16xf32> to vector<16xf32>
    tpu.vector_store %arg7[%swap3A_384], %swap3A_387 {strides = array<i32>} : memref<16xf32, #tpu.memory_space<vmem>>, vector<16xf32>,
    "tpu.region"() ({
      %run_scoped3A = tpu.sem_alloc : memref<!tpu.dma_semaphore, #tpu.memory_space<semaphore_mem>>
      %dma_start3A_388 = arith.constant 0 : i32
      %dma_start3A_389 = tpu.memref_slice %arg3[%add3A_5, %dma_start3A_388] : memref<32x16xf32, #tpu.memory_space<hbm>> -> memref<1x16xf32, #tpu.memory_space<hbm>>
      %dma_start3A_390 = tpu.memref_squeeze %dma_start3A_389 : memref<1x16xf32, #tpu.memory_space<hbm>> -> memref<16xf32, #tpu.memory_space<hbm>>
      %dma_start3A_391 = arith.constant 0 : i32
      %dma_start3A_392 = tpu.memref_slice %arg3[%add3A_5, %dma_start3A_391] : memref<32x16xf32, #tpu.memory_space<hbm>> -> memref<1x16xf32, #tpu.memory_space<hbm>>
      %dma_start3A_393 = tpu.memref_squeeze %dma_start3A_392 : memref<1x16xf32, #tpu.memory_space<hbm>> -> memref<16xf32, #tpu.memory_space<hbm>>
      tpu.enqueue_dma source(%arg7 : memref<16xf32, #tpu.memory_space<vmem>>) target(%dma_start3A_393 : memref<16xf32, #tpu.memory_space<hbm>>) target_semaphore(%run_scoped3A : memref<!tpu.dma_semaphore, #tpu.memory_space<semaphore_mem>>)
      %dma_wait3A_394 = arith.constant 0 : i32
      %dma_wait3A_395 = tpu.memref_slice %arg3[%add3A_5, %dma_wait3A_394] : memref<32x16xf32, #tpu.memory_space<hbm>> -> memref<1x16xf32, #tpu.memory_space<hbm>>
      %dma_wait3A_396 = tpu.memref_squeeze %dma_wait3A_395 : memref<1x16xf32, #tpu.memory_space<hbm>> -> memref<16xf32, #tpu.memory_space<hbm>>
      %dma_wait3A_397 = arith.constant 0 : i32
      %dma_wait3A_398 = tpu.memref_slice %arg3[%add3A_5, %dma_wait3A_397] : memref<32x16xf32, #tpu.memory_space<hbm>> -> memref<1x16xf32, #tpu.memory_space<hbm>>
      %dma_wait3A_399 = tpu.memref_squeeze %dma_wait3A_398 : memref<1x16xf32, #tpu.memory_space<hbm>> -> memref<16xf32, #tpu.memory_space<hbm>>
      tpu.wait_dma2 semaphore(%run_scoped3A : memref<!tpu.dma_semaphore, #tpu.memory_space<semaphore_mem>>) src(%arg7 : memref<16xf32, #tpu.memory_space<vmem>>) dst(%dma_wait3A_399 : memref<16xf32, #tpu.memory_space<hbm>>)
      tpu.yield
    }) : () -> ()
    return
  }
}

</mosaic_0001>

<sc_bundles>
// kernel: _glcm_sc.3.cloned.1.call-start
scs
__scs_entry_jumppad:
0x0: {  	(pc) =	sbr.rel $0x88, $3  }
0x1: {  	(tag) =	ssettag $0x0;
	lr =	simm.s32 $0x1  }
0x2: {  	[smem:$0x3FA0] =	sst lr;
	_ =	strace $0xD0000000  }
0x3: {  	_ = 	snop  }
0x4: {  	_ = 	snop  }
0x5: {  	_ = 	snop  }
0x6: {  	_ = 	snop  }
0x7: {  	_ = 	snop  }
__scs_overlays_trampoline_lowered:
0x8: {  	[smem:$0x3FAF] =	sst s0  }
0x9: {  	[smem:$0x3FB0] =	sst s1  }
0xa: {  	[smem:$0x3FB1] =	sst s2  }
0xb: {  	[smem:$0x3FB2] =	sst s3  }
0xc: {  	[smem:$0x3FB3] =	sst s4  }
0xd: {  	[smem:$0x3FB4] =	sst s5  }
0xe: {  	[smem:$0x3FB5] =	sst s6  }
0xf: {  	[smem:$0x3FB6] =	sst s7  }
0x10: {  	[smem:$0x3FB7] =	sst s8  }
0x11: {  	[smem:$0x3FB8] =	sst s9;
	s0 =	simm.s32 @!p0 $0x0  }
0x12: {  	s1 =	sld [smem:$0x3F9E];
	s0 =	simm.s32 @p0 $0x1  }
0x13: {  	[smem:$0x3FB9] =	sst s0;
	s0 =	simm.s32 @!p1 $0x0  }
0x14: {  	s2 =	sld [smem:$0x3F9D];
	s0 =	simm.s32 @p1 $0x1  }
0x15: {  	[smem:$0x3FBA] =	sst s0;
	s0 =	simm.s32 @!p2 $0x0  }
0x16: {  	s3 =	sld [smem:$0x3FDB];
	s0 =	simm.s32 @p2 $0x1  }
0x17: {  	s4 =	simm.s32 $0x1BF5;
	[smem:$0x3FBC] =	sst s0  }
0x18: {  	s0 =	sld [smem:$0x3F9F];
	_ =	swait.ge [sflag:s4], $0x0  }
0x19: {  	s7 =	sld [smem:$0x3FA0]  }
0x1a: {  	s8 =	sadd.s32 $0xFFFFE003, lr  }
0x1b: {  	s9 =	sadd.s32 $0xFFFFFEF7, lr;
	s5 =	simm.s32 $0xFFFFFFFF;
	p2 =	slt.u32 s8, $0xFFFFF086  }
0x1c: {  	p1 =	slt.u32 s9, $0xF7A;
	s5 =	simm.s32 @!p2 $0x0  }
0x1d: {  	s5 =	simm.s32 @p1 $0x1;
	p0 =	seq.s32 s7, s2  }
0x1e: {  	s7 =	smul.u32 @!p0 $0xF7A, s2;
	p2 =	seq.s32 @!p0 s5, $0x0  }
0x1f: {  	s9 =	smul.u32 $0xF7A, s1;
	s8 =	simm.s32 @!p0 $0x1BF5;
	p2 =	por !p2, p0  }
0x20: {  	[sflag:s8] =	ssyncset.s32 @!p0 $0xFFFFF086;
	s6 =	sadd.s32 @!p0 s3, s7;
	s7 =	simm.s32 @!p0 $0x108  }
0x21: {  	s3 =	sadd.s32 s3, s9;
	s6 =	sadd.s32 @!p0 $0x88, s6;
	s7 =	simm.s32 @p2 $0x1082  }
0x22: {  	[simem:s7], [sflag:s8] =	dma.local @!p0 [hbm:s6], $0xF7A  }
0x23: {  	s9 =	sor.u32 $0xD0000000, s2;
	s6 =	simm.s32 $0x108;
	_ =	swait.ge @!p0 [sflag:s8], $0x0  }
0x24: {  	s3 =	sadd.s32 $0x88, s3;
	s6 =	simm.s32 @!p1 $0x1082;
	[sflag:s4] =	ssyncset.s32 $0xFFFFF086  }
0x25: {  	[simem:s6], [sflag:s4] =	dma.local [hbm:s3], $0xF7A  }
0x26: {  	[smem:$0x3FA0] =	sst s1;
	(tag) =	ssettag s2;
	_ =	strace s9  }
0x27: {  	s1 =	sld [smem:$0x3FB0]  }
0x28: {  	s2 =	sld [smem:$0x3FB1]  }
0x29: {  	s4 =	sld [smem:$0x3FB3]  }
0x2a: {  	p0 =	seq.s32 s5, $0x0;
	s5 =	sld [smem:$0x3FB4]  }
0x2b: {  	s6 =	sld [smem:$0x3FB5]  }
0x2c: {  	s7 =	sld [smem:$0x3FB6]  }
0x2d: {  	s3 =	simm.s32 $0x108;
	s8 =	sld [smem:$0x3FB7]  }
0x2e: {  	s3 =	simm.s32 @!p0 $0x1082;
	s9 =	sld [smem:$0x3FB8]  }
0x2f: {  	lr =	sadd.s32 s0, s3;
	s0 =	sld [smem:$0x3FAF]  }
0x30: {  	s3 =	sld [smem:$0x3FB2]  }
0x31: {  	[smem:$0x3FBB] =	sst s10  }
0x32: {  	s10 =	sld [smem:$0x3FB9];
	_ =	sdelay $0x3  }
0x33: {  	p0 =	seq.s32 s10, $0x1;
	s10 =	sld [smem:$0x3FBB];
	_ =	sdelay $0x3  }
0x34: {  	[smem:$0x3FBB] =	sst s10  }
0x35: {  	s10 =	sld [smem:$0x3FBA];
	_ =	sdelay $0x3  }
0x36: {  	p1 =	seq.s32 s10, $0x1;
	s10 =	sld [smem:$0x3FBB];
	_ =	sdelay $0x3  }
0x37: {  	[smem:$0x3FBB] =	sst s10  }
0x38: {  	s10 =	sld [smem:$0x3FBC]  }
0x39: {  	_ = 	snop;
	(pc) =	sbr.ind lr, $3  }
0x3a: {  	_ = 	snop  }
0x3b: {  	_ = 	snop  }
0x3c: {  	p2 =	seq.s32 s10, $0x1;
	s10 =	sld [smem:$0x3FBB]  }
0x3d: {  	_ =	shalt  }
0x3e: {  	_ =	shalt  }
0x3f: {  	_ =	shalt  }
0x40: {  	_ =	shalt  }
0x41: {  	_ =	shalt  }
0x42: {  	_ =	shalt  }
0x43: {  	_ =	shalt  }
0x44: {  	_ =	shalt  }
0x45: {  	_ =	shalt  }
0x46: {  	_ =	shalt  }
0x47: {  	_ =	shalt  }
0x48: {  	_ =	shalt  }
0x49: {  	_ =	shalt  }
0x4a: {  	_ =	shalt  }
0x4b: {  	_ =	shalt  }
0x4c: {  	_ =	shalt  }
0x4d: {  	_ =	shalt  }
0x4e: {  	_ =	shalt  }
0x4f: {  	_ =	shalt  }
0x50: {  	_ =	shalt  }
0x51: {  	_ =	shalt  }
0x52: {  	_ =	shalt  }
0x53: {  	_ =	shalt  }
0x54: {  	_ =	shalt  }
0x55: {  	_ =	shalt  }
0x56: {  	_ =	shalt  }
0x57: {  	_ =	shalt  }
0x58: {  	_ =	shalt  }
0x59: {  	_ =	shalt  }
0x5a: {  	_ =	shalt  }
0x5b: {  	_ =	shalt  }
0x5c: {  	_ =	shalt  }
0x5d: {  	_ =	shalt  }
0x5e: {  	_ =	shalt  }
0x5f: {  	_ =	shalt  }
0x60: {  	_ =	shalt  }
0x61: {  	_ =	shalt  }
0x62: {  	_ =	shalt  }
0x63: {  	_ =	shalt  }
0x64: {  	_ =	shalt  }
0x65: {  	_ =	shalt  }
0x66: {  	_ =	shalt  }
0x67: {  	_ =	shalt  }
0x68: {  	_ =	shalt  }
0x69: {  	_ =	shalt  }
0x6a: {  	_ =	shalt  }
0x6b: {  	_ =	shalt  }
0x6c: {  	_ =	shalt  }
0x6d: {  	_ =	shalt  }
0x6e: {  	_ =	shalt  }
0x6f: {  	_ =	shalt  }
0x70: {  	_ =	shalt  }
0x71: {  	_ =	shalt  }
0x72: {  	_ =	shalt  }
0x73: {  	_ =	shalt  }
0x74: {  	_ =	shalt  }
0x75: {  	_ =	shalt  }
0x76: {  	_ =	shalt  }
0x77: {  	_ =	shalt  }
0x78: {  	_ =	shalt  }
0x79: {  	_ =	shalt  }
0x7a: {  	_ =	shalt  }
0x7b: {  	_ =	shalt  }
0x7c: {  	_ =	shalt  }
0x7d: {  	_ =	shalt  }
0x7e: {  	_ =	shalt  }
0x7f: {  	_ =	shalt  }
0x80: {  	_ =	shalt  }
0x81: {  	_ =	shalt  }
0x82: {  	_ =	shalt  }
0x83: {  	_ =	shalt  }
0x84: {  	_ =	shalt  }
0x85: {  	_ =	shalt  }
0x86: {  	_ =	shalt  }
0x87: {  	_ =	shalt  }
.Lfunc_end0:
.L_simem_size_0:
called_computation_lowered:
.L_overlay_start_0:
0x88: {  	s2 =	sld [smem:$0x3FD9]  }
0x89: {  	s3 =	sld [smem:$0x3FFE];
	_ =	sdelay $0x1  }
0x8a: {  	s1 =	srdreg.scid  }
0x8b: {  	s0 =	sand.u32 $0x1, s1  }
0x8c: {  	s17 =	sshll.u32 s0, $0xA;
	s2 =	sadd.s32 s3, s2  }
0x8d: {  	s2 =	sadd.s32 s2, s17  }
0x8e: {  	[smem:$0x3FC7] =	sst s2  }
0x8f: {  	_ = 	snop  }
0x90: {  	s2 =	sld [smem:$0x3FC9];
	(tm) =	ssettm $0x1  }
0x91: {  	s18 =	sld [smem:$0x3FFB];
	_ =	sdelay $0x3  }
0x92: {  	_ =	strace s18  }
0x93: {  	s3 =	sld [smem:$0x3FFC];
	_ =	sdelay $0x3  }
0x94: {  	_ =	strace s3  }
0x95: {  	s3 =	sld [smem:$0x3FFD];
	_ =	sdelay $0x3  }
0x96: {  	_ =	strace s3  }
0x97: {  	_ =	strace $0x8FFFFFFF  }
0x98: {  	s19 =	sld [smem:$0x3FDB];
	_ =	sdelay $0x1  }
0x99: {  	s4 =	simm.s32 $_scs_section_size  }
0x9a: {  	s5 =	simm.s32 $_size__tile_overlayer_lowered;
	s6 =	simm.s32 $_tile_overlayer_lowered  }
0x9b: {  	s22 =	simm.s32 $0x1BFF;
	s21 =	sshll.u32 s6, $0x1;
	s3 =	sadd.s32 s4, s19  }
0x9c: {  	s7 =	simm.s32 $0x0;
	s20 =	sshll.u32 s5, $0x1;
	s5 =	sadd.s32 s21, s3  }
0x9d: {  	[timem:s7], [sflag:s22] =	dma.local [hbm:s5], s20  }
0x9e: {  	_ =	swait.ge [sflag:s22], s20  }
0x9f: {  	s4 =	ssub.s32 $0x0, s20;
	[sflag:s22] =	ssyncset.done $0x0  }
0xa0: {  	[sflag:s22] =	ssyncadd.s32 s4;
	_ =	sdelay $0x1  }
0xa1: {  	s23 =	simm.s32 $0x1B8B  }
0xa2: {  	_ =	swait.ge [sflag:s23], $0x1  }
0xa3: {  	[sflag:s23] =	ssyncset.done $0x0  }
0xa4: {  	s25 =	simm.s32 $0x1B8E;
	s24 =	sld [smem:$0x3FFE];
	[sflag:s23] =	ssyncadd.s32 $0xFFFFFFFF  }
0xa5: {  	s26 =	simm.s32 $execute0_lowered;
	[smem:$0x3FD2] =	sst s25  }
0xa6: {  	s5 =	sshll.u32 s26, $0x1;
	_ =	strace $0x80000046;
	[dreg:$0x1] =	wrdreg $0xFFFFFFFF  }
0xa7: {  	s28 =	simm.s32 $_size_execute0_lowered;
	s3 =	sadd.s32 s3, s5;
	[dreg:$0x0] =	wrdreg $0x0  }
0xa8: {  	s5 =	sshll.u32 s28, $0x1;
	[dreg:$0x2] =	wrdreg s3  }
0xa9: {  	[dreg:$0x3] =	wrdreg s5  }
0xaa: {  	[dreg:$0x4] =	wrdreg $0xC0  }
0xab: {  	_ =	task [dreg:s7], $0x5FFFF  }
0xac: {  	[dreg:$0x1] =	wrdreg $0xFFFFFFFF  }
0xad: {  	[dreg:$0x0] =	wrdreg $0x60  }
0xae: {  	[dreg:$0x2] =	wrdreg s2  }
0xaf: {  	[dreg:$0x3] =	wrdreg s24  }
0xb0: {  	[dreg:$0x4] =	wrdreg $0x10B800  }
0xb1: {  	[dreg:$0x5] =	wrdreg $0x9  }
0xb2: {  	_ =	task.clear_ibuf [dreg:s7], $0x6FFFF;
	_ =	strace $0x90000046  }
0xb3: {  	s29 =	simm.s32 $0x9;
	_ =	strace $0x80000048  }
0xb4: {  	_ =	swait.ge [sflag:s29], $0x1  }
0xb5: {  	[sflag:s29] =	ssyncadd.s32 $0xFFFFFFFF  }
0xb6: {  	_ =	strace $0x90000048  }
0xb7: {  	_ =	sfence  }
0xb8: {  	s30 =	sld [smem:$0x0];
	_ =	sdelay $0x2  }
0xb9: {  	s31 =	sshll.u32 s1, $0xD;
	s1 =	sshrl.u32 s1, $0x2  }
0xba: {  	s3 =	sand.u32 $0x4000, s31;
	s1 =	sadd.s32 s1, s30  }
0xbb: {  	s0 =	sor.u32 s3, s0;
	s1 =	sshll.u32 s1, $0x11  }
0xbc: {  	s0 =	sor.u32 s1, s0  }
0xbd: {  	s0 =	sadd.s32 $0x8F2B, s0  }
0xbe: {  	[sflag:s0] =	ssyncadd.remote.s32 $0x1  }
0xbf: {  	_ =	sfence.sel $0xFFFF  }
0xc0: {  	[dreg:$0x0] =	wrdreg $0xFFFFFFFF;
	(pc) =	sbr.abs _section_cstart, $3  }
0xc1: {  	[dreg:$0x1] =	wrdreg $0xFFFFFFFF  }
0xc2: {  	_ =	task.clear_ibuf [dreg:s7], $0x2FFFF;
	_ =	strace $0x9FFFFFFF  }
0xc3: {  	(tm) =	ssettm $0x7FFFFFFF  }
tec
execute0_lowered:
.L_overlay_start_1:
0x0: {  	(tag) =	ssettag $0x1  }
0x1: {  	s3 =	rddreg [dreg:$0x0]  }
0x2: {  	s4 =	rddreg [dreg:$0x1]  }
0x3: {  	s8 =	rddreg [dreg:$0x2]  }
0x4: {  	s0 =	rddreg [dreg:$0x3];
	s5 =	srdreg.scid  }
0x5: {  	s2 =	simm.s32 $0x0;
	s1 =	stileid.u32;
	s13 =	simm.s32 $0x2  }
0x6: {  	s14 =	simm.s32 $0x10380;
	s15 =	simm.s32 $0x3;
	s16 =	simm.s32 $0x10780  }
0x7: {  	s17 =	simm.s32 $0x10300;
	s18 =	simm.s32 $0x0;
	s6 =	sand.u32 $0x1, s5  }
0x8: {  	[smem:$0x7FF] =	sst s2;
	s7 =	sshll.u32 s1, $0xE;
	s30 =	sshll.u32 s1, $0x4  }
0x9: {  	s31 =	sshll.u32 s1, $0xA;
	s5 =	sshll.u32 s6, $0x12;
	_ =	strace $0x80000047  }
0xa: {  	s9 =	ssub.s32 $0x2, s6;
	s11 =	sshll.u32 s6, $0x8;
	s12 =	sxor.u32 $0x400, s31  }
0xb: {  	s5 =	sor.u32 s7, s5;
	s10 =	sshrl.u32 s9, $0x1;
	s7 =	sadd.s32 s30, s4  }
0xc: {  	v0 =	vlaneseq.u32;
	s3 =	sadd.s32 s3, s5;
	s10 =	ssub.s32 s9, s10;
	s11 =	sadd.s32 s11, s7  }
0xd: {  	v1 =	vmul.u32 $0xFFFFFFFF, v0;
	s7 =	sadd.s32 s31, s8;
	s8 =	sadd.s32 s12, s8;
	s12 =	simm.s32 $0x1  }
0xe: {  	v2 =	vimm.s32 $0x0;
	s4 =	sadd.s32 $0x1000, s3;
	s5 =	sadd.s32 $0x2000, s3;
	s6 =	sadd.s32 $0x3000, s3  }
0xf: {  	vm0 =	vcmask $0x300;
	v0 =	vimm.f32 $0.0e+00;
	v1 =	vadd.s32 $0x1FB, v1;
	s9 =	sadd.s32 $0x400, s11;
	s10 =	smax.u32 s10, $0x1;
	s11 =	simm.s32 $0x8080  }
.LBB2_1:
0x10: {  	v3 =	vmov s2  }
0x11: {  	[tilespmem:$0x8000] =	vst v0;
	vm1 =	vlt.u32 v3, v1  }
0x12: {  	[tilespmem:$0x10080] =	vst v0;
	s19 =	simm.s32 $0x10100;
	v3 =	vsel vm1, $0xFFFFFFFF, v2  }
0x13: {  	s20 =	simm.s32 $0x10;
	[tilespmem:s19+$0x0] =	vst v3  }
.LBB2_2:
0x14: {  	p0 =	sne.s32 s20, $0x1F0  }
.Ltmp0:
0x15: {  	_ = 	snop;
	(pc) =	sbr.rel @p0 .LBB2_2-.Ltmp0, $4  }
0x16: {  	v3 =	vmov s20  }
0x17: {  	vm1 =	vlt.u32 v3, v1  }
0x18: {  	s19 =	sadd.s32 $0x10, s19;
	v3 =	vsel vm1, $0xFFFFFFFF, v2  }
0x19: {  	s20 =	sadd.s32 $0x10, s20;
	[tilespmem:s19+$0x0] =	vst v3  }
0x1a: {  	[tilespmem:s2], [sflag:$0x1] =	stream.linear.gather [hbm4b:s3+s2], $0x8000, $0x38;
	[tilespmem:$0x10C00] =	vst v63  }
0x1b: {  	_ = 	snop  }
0x1c: {  	[tilespmem:s11], [sflag:$0x2] =	stream.linear.gather [hbm4b:s4+s2], $0x8000, $0x38;
	[tilespmem:$0x10C00] =	vst v63  }
0x1d: {  	_ =	swait.ge [sflag:s12], $0x8000  }
0x1e: {  	[sflag:s12] =	ssyncset.done $0x0  }
0x1f: {  	s20 =	simm.s32 $0x20;
	[sflag:s12] =	ssyncadd.s32 $0xFFFF8000  }
0x20: {  	v4 =	vld [tilespmem:s20+$0xFFFFFFE0]  }
0x21: {  	v6 =	vld [tilespmem:s20+$0xFFFFFFF0]  }
0x22: {  	v8 =	vld [tilespmem:s20+$0x0];
	_ =	sdelay $0x1  }
0x23: {  	s19 =	simm.s32 $0x60;
	v7 =	vimm.f32 $3.399999950e+38;
	v9 =	vimm.f32 $-3.399999950e+38;
	v5 =	vld [tilespmem:s20+$0x10]  }
0x24: {  	v3 =	vld [tilespmem:s19+$0x0];
	v7 =	vmin.f32 v7, v4;
	v9 =	vmax.f32 v9, v4  }
0x25: {  	v4 =	vld [tilespmem:s19+$0xFFFFFFE0];
	v7 =	vmin.f32 v7, v6;
	v9 =	vmax.f32 v9, v6  }
0x26: {  	s21 =	simm.s32 $0xA0;
	s20 =	simm.s32 $0x4;
	v6 =	vld [tilespmem:s19+$0xFFFFFFF0];
	v7 =	vmin.f32 v7, v8;
	v8 =	vmax.f32 v9, v8  }
.LBB2_4:
0x27: {  	s20 =	sadd.s32 $0x4, s20  }
0x28: {  	v9 =	vld [tilespmem:s21+$0x0];
	v7 =	vmin.f32 v7, v5;
	v8 =	vmax.f32 v8, v5;
	p0 =	slt.u32 s20, $0x7FC  }
.Ltmp1:
0x29: {  	v5 =	vld [tilespmem:s19+$0x10];
	s19 =	smov.u32 s21;
	(pc) =	sbr.rel @p0 .LBB2_4-.Ltmp1, $4  }
0x2a: {  	_ = 	snop  }
0x2b: {  	v7 =	vmin.f32 v7, v4;
	v8 =	vmax.f32 v8, v4  }
0x2c: {  	v4 =	vld [tilespmem:s21+$0xFFFFFFE0];
	v7 =	vmin.f32 v7, v6;
	v8 =	vmax.f32 v8, v6  }
0x2d: {  	s21 =	sadd.s32 $0x40, s21;
	v6 =	vld [tilespmem:s19+$0xFFFFFFF0];
	v7 =	vmin.f32 v7, v3;
	v8 =	vmax.f32 v8, v3;
	v3 =	vmov v9  }
0x2e: {  	v9 =	vld [tilespmem:s19+$0x10];
	[tilespmem:s2], [sflag:$0x1] =	stream.linear.gather [hbm4b:s5+s2], $0x8000, $0x38  }
0x2f: {  	_ =	swait.ge [sflag:s13], $0x8000  }
0x30: {  	[sflag:s13] =	ssyncset.done $0x0  }
0x31: {  	s20 =	simm.s32 $0x80A0;
	[sflag:s13] =	ssyncadd.s32 $0xFFFF8000  }
0x32: {  	v7 =	vmin.f32 v7, v5;
	v5 =	vmax.f32 v8, v5;
	v8 =	vld [tilespmem:s20+$0xFFFFFFE0]  }
0x33: {  	v7 =	vmin.f32 v7, v4;
	v4 =	vmax.f32 v5, v4;
	v10 =	vld [tilespmem:s20+$0xFFFFFFF0]  }
0x34: {  	v5 =	vmin.f32 v7, v6;
	v4 =	vmax.f32 v4, v6;
	v11 =	vld [tilespmem:s20+$0x0]  }
0x35: {  	v5 =	vmin.f32 v5, v3;
	v3 =	vmax.f32 v4, v3  }
0x36: {  	s19 =	simm.s32 $0x80E0;
	v4 =	vmin.f32 v5, v9;
	v6 =	vmax.f32 v3, v9;
	v5 =	vld [tilespmem:s20+$0x10]  }
0x37: {  	v3 =	vld [tilespmem:s19+$0x0];
	v7 =	vmin.f32 v4, v8;
	v6 =	vmax.f32 v6, v8  }
0x38: {  	v4 =	vld [tilespmem:s19+$0xFFFFFFE0];
	v7 =	vmin.f32 v7, v10;
	v8 =	vmax.f32 v6, v10  }
0x39: {  	s21 =	simm.s32 $0x8120;
	s20 =	simm.s32 $0x4;
	v6 =	vld [tilespmem:s19+$0xFFFFFFF0];
	v7 =	vmin.f32 v7, v11;
	v8 =	vmax.f32 v8, v11  }
.LBB2_6:
0x3a: {  	s20 =	sadd.s32 $0x4, s20  }
0x3b: {  	v9 =	vld [tilespmem:s21+$0x0];
	v7 =	vmin.f32 v7, v5;
	v8 =	vmax.f32 v8, v5;
	p0 =	slt.u32 s20, $0x7FC  }
.Ltmp2:
0x3c: {  	v5 =	vld [tilespmem:s19+$0x10];
	s19 =	smov.u32 s21;
	(pc) =	sbr.rel @p0 .LBB2_6-.Ltmp2, $4  }
0x3d: {  	_ = 	snop  }
0x3e: {  	v7 =	vmin.f32 v7, v4;
	v8 =	vmax.f32 v8, v4  }
0x3f: {  	v4 =	vld [tilespmem:s21+$0xFFFFFFE0];
	v7 =	vmin.f32 v7, v6;
	v8 =	vmax.f32 v8, v6  }
0x40: {  	s21 =	sadd.s32 $0x40, s21;
	v6 =	vld [tilespmem:s19+$0xFFFFFFF0];
	v7 =	vmin.f32 v7, v3;
	v8 =	vmax.f32 v8, v3;
	v3 =	vmov v9  }
0x41: {  	v9 =	vld [tilespmem:s19+$0x10];
	[tilespmem:s11], [sflag:$0x2] =	stream.linear.gather [hbm4b:s6+s2], $0x8000, $0x38  }
0x42: {  	_ =	swait.ge [sflag:s12], $0x8000  }
0x43: {  	[sflag:s12] =	ssyncset.done $0x0  }
0x44: {  	s20 =	simm.s32 $0x20;
	[sflag:s12] =	ssyncadd.s32 $0xFFFF8000  }
0x45: {  	v7 =	vmin.f32 v7, v5;
	v5 =	vmax.f32 v8, v5;
	v8 =	vld [tilespmem:s20+$0xFFFFFFE0]  }
0x46: {  	v7 =	vmin.f32 v7, v4;
	v4 =	vmax.f32 v5, v4;
	v10 =	vld [tilespmem:s20+$0xFFFFFFF0]  }
0x47: {  	v5 =	vmin.f32 v7, v6;
	v4 =	vmax.f32 v4, v6;
	v11 =	vld [tilespmem:s20+$0x0]  }
0x48: {  	v5 =	vmin.f32 v5, v3;
	v3 =	vmax.f32 v4, v3  }
0x49: {  	s19 =	simm.s32 $0x60;
	v4 =	vmin.f32 v5, v9;
	v6 =	vmax.f32 v3, v9;
	v5 =	vld [tilespmem:s20+$0x10]  }
0x4a: {  	v3 =	vld [tilespmem:s19+$0x0];
	v7 =	vmin.f32 v4, v8;
	v6 =	vmax.f32 v6, v8  }
0x4b: {  	v4 =	vld [tilespmem:s19+$0xFFFFFFE0];
	v7 =	vmin.f32 v7, v10;
	v8 =	vmax.f32 v6, v10  }
0x4c: {  	s21 =	simm.s32 $0xA0;
	s20 =	simm.s32 $0x4;
	v6 =	vld [tilespmem:s19+$0xFFFFFFF0];
	v7 =	vmin.f32 v7, v11;
	v8 =	vmax.f32 v8, v11  }
.LBB2_8:
0x4d: {  	s20 =	sadd.s32 $0x4, s20  }
0x4e: {  	v9 =	vld [tilespmem:s21+$0x0];
	v7 =	vmin.f32 v7, v5;
	v8 =	vmax.f32 v8, v5;
	p0 =	slt.u32 s20, $0x7FC  }
.Ltmp3:
0x4f: {  	v5 =	vld [tilespmem:s19+$0x10];
	s19 =	smov.u32 s21;
	(pc) =	sbr.rel @p0 .LBB2_8-.Ltmp3, $4  }
0x50: {  	_ = 	snop  }
0x51: {  	v7 =	vmin.f32 v7, v4;
	v8 =	vmax.f32 v8, v4  }
0x52: {  	v4 =	vld [tilespmem:s21+$0xFFFFFFE0];
	v7 =	vmin.f32 v7, v6;
	v8 =	vmax.f32 v8, v6  }
0x53: {  	s21 =	sadd.s32 $0x40, s21;
	v6 =	vld [tilespmem:s19+$0xFFFFFFF0];
	v7 =	vmin.f32 v7, v3;
	v8 =	vmax.f32 v8, v3;
	v3 =	vmov v9  }
0x54: {  	v9 =	vld [tilespmem:s19+$0x10];
	_ =	swait.ge [sflag:s13], $0x8000  }
0x55: {  	[sflag:s13] =	ssyncset.done $0x0  }
0x56: {  	s20 =	simm.s32 $0x80A0;
	[sflag:s13] =	ssyncadd.s32 $0xFFFF8000  }
0x57: {  	v7 =	vmin.f32 v7, v5;
	v5 =	vmax.f32 v8, v5;
	v8 =	vld [tilespmem:s20+$0xFFFFFFE0]  }
0x58: {  	v7 =	vmin.f32 v7, v4;
	v4 =	vmax.f32 v5, v4;
	v10 =	vld [tilespmem:s20+$0xFFFFFFF0]  }
0x59: {  	v11 =	vld [tilespmem:s20+$0x0];
	v5 =	vmin.f32 v7, v6;
	v4 =	vmax.f32 v4, v6  }
0x5a: {  	v5 =	vmin.f32 v5, v3;
	v3 =	vmax.f32 v4, v3  }
0x5b: {  	s19 =	simm.s32 $0x80E0;
	v4 =	vld [tilespmem:s20+$0x10];
	v5 =	vmin.f32 v5, v9;
	v6 =	vmax.f32 v3, v9  }
0x5c: {  	v3 =	vld [tilespmem:s19+$0x0];
	v7 =	vmin.f32 v5, v8;
	v6 =	vmax.f32 v6, v8  }
0x5d: {  	v5 =	vld [tilespmem:s19+$0xFFFFFFE0];
	v7 =	vmin.f32 v7, v10;
	v8 =	vmax.f32 v6, v10  }
0x5e: {  	s21 =	simm.s32 $0x8120;
	s20 =	simm.s32 $0x4;
	v6 =	vld [tilespmem:s19+$0xFFFFFFF0];
	v7 =	vmin.f32 v7, v11;
	v8 =	vmax.f32 v8, v11  }
.LBB2_10:
0x5f: {  	s20 =	sadd.s32 $0x4, s20  }
0x60: {  	v9 =	vld [tilespmem:s21+$0x0];
	v7 =	vmin.f32 v7, v4;
	v8 =	vmax.f32 v8, v4;
	p0 =	slt.u32 s20, $0x7FC  }
.Ltmp4:
0x61: {  	v4 =	vld [tilespmem:s19+$0x10];
	s19 =	smov.u32 s21;
	(pc) =	sbr.rel @p0 .LBB2_10-.Ltmp4, $4  }
0x62: {  	_ = 	snop  }
0x63: {  	v7 =	vmin.f32 v7, v5;
	v8 =	vmax.f32 v8, v5  }
0x64: {  	v5 =	vld [tilespmem:s21+$0xFFFFFFE0];
	v7 =	vmin.f32 v7, v6;
	v8 =	vmax.f32 v8, v6  }
0x65: {  	s21 =	sadd.s32 $0x40, s21;
	v6 =	vld [tilespmem:s19+$0xFFFFFFF0];
	v7 =	vmin.f32 v7, v3;
	v8 =	vmax.f32 v8, v3;
	v3 =	vmov v9  }
0x66: {  	_ = 	snop  }
0x67: {  	v9 =	vld [tilespmem:s19+$0x10]  }
0x68: {  	v7 =	vmin.f32 v7, v4  }
0x69: {  	v4 =	vmax.f32 v8, v4;
	v7 =	vmin.f32 v7, v5  }
0x6a: {  	v4 =	vmax.f32 v4, v5;
	v5 =	vmin.f32 v7, v6  }
0x6b: {  	v4 =	vmax.f32 v4, v6;
	v5 =	vmin.f32 v5, v3  }
0x6c: {  	v3 =	vmax.f32 v4, v3;
	v4 =	vmin.f32 v5, v9  }
0x6d: {  	v3 =	vmax.f32 v3, v9;
	[tilespmem:$0x10380] =	vst v4  }
0x6e: {  	[tilespmem:$0x10400] =	vst v3  }
0x6f: {  	[spmem:s7] =	stream.linear.scatter [tilespmem:s14], [sflag:$0x3], $0x400, $0x38;
	[tilespmem:$0x10C00] =	vst v63  }
0x70: {  	_ =	swait.ge [sflag:s15], $0x400  }
0x71: {  	[sflag:s15] =	ssyncset.done $0x0  }
0x72: {  	[sflag:s15] =	ssyncadd.s32 $0xFFFFFC00  }
0x73: {  	[bflag:$0x0] =	sbarrier.arrive $0xFFFF  }
0x74: {  	[tilespmem:s16], [sflag:$0x3] =	stream.linear.gather [spmem:s8], $0x400, $0x38;
	[tilespmem:$0x10C00] =	vst v63  }
0x75: {  	_ =	swait.ge [sflag:s15], $0x400  }
0x76: {  	[sflag:s15] =	ssyncset.done $0x0  }
0x77: {  	[sflag:s15] =	ssyncadd.s32 $0xFFFFFC00  }
0x78: {  	v5 =	vld [tilespmem:$0x10780];
	_ =	sdelay $0x4  }
0x79: {  	v4 =	vmin.f32 v4, v5  }
0x7a: {  	(v2sf) =	vpush v4, $0x0  }
0x7b: {  	(v2sf) =	vpush v4, $0x1  }
0x7c: {  	(v2sf) =	vpush v4, $0x2  }
0x7d: {  	(v2sf) =	vpush v4, $0x3  }
0x7e: {  	(v2sf) =	vpush v4, $0x4  }
0x7f: {  	(v2sf) =	vpush v4, $0x5  }
0x80: {  	(v2sf) =	vpush v4, $0x6  }
0x81: {  	(v2sf) =	vpush v4, $0x7  }
0x82: {  	(v2sf) =	vpush v4, $0x8  }
0x83: {  	(v2sf) =	vpush v4, $0x9  }
0x84: {  	v5 =	vld [tilespmem:$0x10800];
	(v2sf) =	vpush v4, $0xA  }
0x85: {  	(v2sf) =	vpush v4, $0xB  }
0x86: {  	(v2sf) =	vpush v4, $0xC  }
0x87: {  	(v2sf) =	vpush v4, $0xD  }
0x88: {  	(v2sf) =	vpush v4, $0xE  }
0x89: {  	v3 =	vmax.f32 v3, v5;
	s30 =	spop (v2sf);
	(v2sf) =	vpush v4, $0xF  }
0x8a: {  	s20 =	spop (v2sf);
	(v2sf) =	vpush v3, $0x0  }
0x8b: {  	s21 =	spop (v2sf);
	(v2sf) =	vpush v3, $0x1  }
0x8c: {  	s22 =	spop (v2sf);
	(v2sf) =	vpush v3, $0x2  }
0x8d: {  	s19 =	smin.f32 s30, s20;
	s23 =	spop (v2sf);
	(v2sf) =	vpush v3, $0x3  }
0x8e: {  	s19 =	smin.f32 s19, s21;
	s24 =	spop (v2sf);
	(v2sf) =	vpush v3, $0x4  }
0x8f: {  	s19 =	smin.f32 s19, s22;
	s31 =	spop (v2sf);
	(v2sf) =	vpush v3, $0x5  }
0x90: {  	s19 =	smin.f32 s19, s23;
	s25 =	spop (v2sf);
	(v2sf) =	vpush v3, $0x6  }
0x91: {  	s19 =	smin.f32 s19, s24;
	s26 =	spop (v2sf);
	(v2sf) =	vpush v3, $0x7  }
0x92: {  	s19 =	smin.f32 s19, s31;
	s28 =	spop (v2sf);
	(v2sf) =	vpush v3, $0x8  }
0x93: {  	s19 =	smin.f32 s19, s25;
	s29 =	spop (v2sf);
	(v2sf) =	vpush v3, $0x9  }
0x94: {  	s19 =	smin.f32 s19, s26;
	s30 =	spop (v2sf);
	(v2sf) =	vpush v3, $0xA  }
0x95: {  	s19 =	smin.f32 s19, s28;
	s31 =	spop (v2sf);
	(v2sf) =	vpush v3, $0xB  }
0x96: {  	s19 =	smin.f32 s19, s29;
	s25 =	spop (v2sf);
	(v2sf) =	vpush v3, $0xC  }
0x97: {  	s19 =	smin.f32 s19, s30;
	s23 =	spop (v2sf);
	(v2sf) =	vpush v3, $0xD  }
0x98: {  	s19 =	smin.f32 s19, s31;
	s24 =	spop (v2sf);
	(v2sf) =	vpush v3, $0xE  }
0x99: {  	s19 =	smin.f32 s19, s25;
	s26 =	spop (v2sf);
	(v2sf) =	vpush v3, $0xF  }
0x9a: {  	s19 =	smin.f32 s19, s23;
	s28 =	spop (v2sf)  }
0x9b: {  	s29 =	spop (v2sf);
	s20 =	smax.f32 s26, s28  }
0x9c: {  	s30 =	spop (v2sf);
	s20 =	smax.f32 s20, s29  }
0x9d: {  	s31 =	spop (v2sf);
	s20 =	smax.f32 s20, s30  }
0x9e: {  	s25 =	spop (v2sf);
	s20 =	smax.f32 s20, s31  }
0x9f: {  	s26 =	spop (v2sf);
	s20 =	smax.f32 s20, s25  }
0xa0: {  	s28 =	spop (v2sf);
	s20 =	smax.f32 s20, s26  }
0xa1: {  	s29 =	spop (v2sf);
	s20 =	smax.f32 s20, s28  }
0xa2: {  	s30 =	spop (v2sf);
	s20 =	smax.f32 s20, s29  }
0xa3: {  	s31 =	spop (v2sf);
	s20 =	smax.f32 s20, s30  }
0xa4: {  	s25 =	spop (v2sf);
	s20 =	smax.f32 s20, s31  }
0xa5: {  	s26 =	spop (v2sf);
	s20 =	smax.f32 s20, s25  }
0xa6: {  	s28 =	spop (v2sf);
	s20 =	smax.f32 s20, s26  }
0xa7: {  	s29 =	spop (v2sf);
	s20 =	smax.f32 s20, s28  }
0xa8: {  	s20 =	smax.f32 s20, s29;
	s30 =	spop (v2sf)  }
0xa9: {  	s31 =	smin.f32 s19, s24;
	s21 =	smax.f32 s20, s30  }
0xaa: {  	s19 =	ssub.f32 s21, s31;
	_ =	sdelay $0x1  }
0xab: {  	v3 =	vmov s19  }
0xac: {  	(erf) = vrcp.f32 v3;
	_ =	sdelay $0x5  }
0xad: {  	s23 =	simm.s32 $0x0  }
0xae: {  	[tilespmem:s23], [sflag:$0x1] =	stream.linear.gather [hbm4b:s3+s23], $0x8000, $0x38;
	[tilespmem:$0x10C00] =	vst v63  }
0xaf: {  	_ = 	snop  }
0xb0: {  	[tilespmem:s11], [sflag:$0x2] =	stream.linear.gather [hbm4b:s4+s23], $0x8000, $0x38;
	v3 =	vpop (erf);
	[tilespmem:$0x10C00] =	vst v63  }
0xb1: {  	_ =	swait.ge [sflag:s12], $0x8000  }
0xb2: {  	[sflag:s12] =	ssyncset.done $0x0  }
0xb3: {  	s24 =	simm.s32 $0x0;
	[sflag:s12] =	ssyncadd.s32 $0xFFFF8000  }
0xb4: {  	v5 =	vld [tilespmem:s24+$0x35]  }
0xb5: {  	v6 =	vld [tilespmem:s24+$0x20]  }
0xb6: {  	v7 =	vld [tilespmem:s24+$0x30]  }
0xb7: {  	v8 =	vld [tilespmem:s24+$0x25]  }
0xb8: {  	v9 =	vld [tilespmem:s24+$0x0]  }
0xb9: {  	v4 =	vmul.f32 $2.550000000e+02, v3;
	v10 =	vld [tilespmem:s24+$0x15]  }
0xba: {  	s25 =	simm.s32 $0x40;
	v12 =	vld [tilespmem:s24+$0x5]  }
0xbb: {  	v3 =	vmul.f32 s31, v4;
	v15 =	vld [tilespmem:s25+$0x30]  }
0xbc: {  	v20 =	vld [tilespmem:s25+$0x0];
	v5 =	vmul.f32 v5, v4  }
0xbd: {  	v3 =	vsub.f32 $5.000000000e-01, v3;
	v6 =	vmul.f32 v6, v4;
	v7 =	vmul.f32 v7, v4  }
0xbe: {  	v8 =	vmul.f32 v8, v4;
	v9 =	vmul.f32 v9, v4  }
0xbf: {  	v11 =	vld [tilespmem:s24+$0x10];
	v10 =	vmul.f32 v10, v4;
	v12 =	vmul.f32 v12, v4;
	v5 =	vadd.f32 v5, v3  }
0xc0: {  	v15 =	vmul.f32 v15, v4;
	v6 =	vadd.f32 v6, v3;
	v7 =	vadd.f32 v7, v3  }
0xc1: {  	v20 =	vmul.f32 v20, v4;
	v5 =	vtrunc.f32 v5  }
0xc2: {  	v10 =	vadd.f32 v10, v3;
	v6 =	vtrunc.f32 v6;
	v7 =	vtrunc.f32 v7  }
0xc3: {  	v12 =	vadd.f32 v12, v3;
	v13 =	vcvt.f32.s32 v6;
	v14 =	vcvt.f32.s32 v5;
	v6 =	vld [tilespmem:s25+$0x35]  }
0xc4: {  	v5 =	vadd.f32 v8, v3;
	v8 =	vadd.f32 v9, v3;
	v9 =	vmul.f32 v11, v4;
	v11 =	vld [tilespmem:s25+$0x20]  }
0xc5: {  	s26 =	simm.s32 $0xC0;
	v16 =	vld [tilespmem:s25+$0x25];
	v19 =	vtrunc.f32 v10;
	v12 =	vtrunc.f32 v12  }
0xc6: {  	s21 =	sand.u32 $0x7C0, s26;
	v7 =	vcvt.f32.s32 v7;
	v9 =	vadd.f32 v9, v3;
	v5 =	vtrunc.f32 v5  }
0xc7: {  	s30 =	simm.s32 $0x80;
	s21 =	sshrl.u32 s21, $0x2;
	v19 =	vcvt.f32.s32 v19;
	v17 =	vcvt.f32.s32 v5  }
0xc8: {  	s28 =	simm.s32 $0x40;
	v8 =	vtrunc.f32 v8;
	v5 =	vld [tilespmem:s21+$0x10100];
	s21 =	sand.u32 $0x780, s30;
	v18 =	vtrunc.f32 v9  }
0xc9: {  	s22 =	sand.u32 $0x740, s28;
	s21 =	sshrl.u32 s21, $0x2;
	v9 =	vmul.f32 v6, v4;
	v11 =	vmul.f32 v11, v4;
	v17 =	vsub.s32 v13, v17;
	v13 =	vld [tilespmem:s25+$0x15]  }
0xca: {  	s29 =	sshrl.u32 s22, $0x2;
	v10 =	vsub.s32 v7, v14;
	v14 =	vmul.f32 v16, v4;
	v23 =	vcvt.f32.s32 v18;
	v18 =	vld [tilespmem:s21+$0x10100]  }
0xcb: {  	v7 =	vcvt.f32.s32 v12;
	v21 =	vadd.f32 v9, v3;
	v9 =	vld [tilespmem:s29+$0x10100];
	v22 =	vadd.f32 v11, v3  }
0xcc: {  	s19 =	sand.u32 $0x700, s23;
	v12 =	vadd.f32 v15, v3;
	v15 =	vcvt.f32.s32 v8;
	v6 =	vimm.s32 $0x0;
	v11 =	vld [tilespmem:s25+$0x10]  }
0xcd: {  	s31 =	sshrl.u32 s19, $0x2;
	v16 =	vmul.u32 v17, v17;
	v17 =	vld [tilespmem:s25+$0x5];
	v21 =	vtrunc.f32 v21;
	v8 =	vtrunc.f32 v22  }
0xce: {  	v22 =	vsub.s32 v23, v19;
	v19 =	vsub.s32 v15, v7;
	v15 =	vld [tilespmem:s31+$0x10100];
	v8 =	vcvt.f32.s32 v8  }
0xcf: {  	s20 =	simm.s32 $0x4;
	s19 =	simm.s32 $0x100;
	s21 =	simm.s32 $0x200;
	v7 =	vcvt.f32.s32 v21;
	v19 =	vmul.u32 v19, v19;
	v21 =	vmul.u32 v22, v22  }
.LBB2_12:
0xd0: {  	s22 =	sshra.s32 s21, $0x2;
	s20 =	sadd.s32 $0x4, s20;
	v13 =	vmul.f32 v13, v4;
	v14 =	vadd.f32 v14, v3;
	v16 =	vand.u32 v18, v16  }
0xd1: {  	v20 =	vadd.f32 v20, v3;
	v11 =	vmul.f32 v11, v4;
	s23 =	sadd.s32 $0xC0, s19;
	v18 =	vld [tilespmem:s22+$0x35];
	p0 =	slt.u32 s20, $0x7FC;
	v21 =	vand.u32 v9, v21  }
0xd2: {  	v10 =	vmul.u32 v10, v10;
	s23 =	sand.u32 $0x7C0, s23;
	v22 =	vld [tilespmem:s22+$0x20];
	v9 =	vmul.f32 v17, v4;
	v13 =	vadd.f32 v13, v3  }
0xd3: {  	s24 =	sadd.s32 $0x40, s19;
	v12 =	vtrunc.f32 v12;
	v20 =	vtrunc.f32 v20;
	s23 =	sshrl.u32 s23, $0x2;
	v17 =	vld [tilespmem:s22+$0x30];
	v15 =	vand.u32 v15, v19  }
0xd4: {  	s24 =	sand.u32 $0x740, s24;
	v11 =	vadd.f32 v11, v3;
	v14 =	vtrunc.f32 v14;
	v19 =	vand.u32 v5, v10;
	v5 =	vld [tilespmem:s23+$0x10100]  }
0xd5: {  	v12 =	vcvt.f32.s32 v12;
	v14 =	vcvt.f32.s32 v14;
	v10 =	vadd.f32 v9, v3;
	s23 =	sshrl.u32 s24, $0x2;
	v23 =	vld [tilespmem:s22+$0x25]  }
0xd6: {  	v24 =	vtrunc.f32 v11;
	v25 =	vtrunc.f32 v13;
	v6 =	vadd.s32 v6, v15;
	v9 =	vld [tilespmem:s23+$0x10100]  }
0xd7: {  	v6 =	vadd.s32 v21, v6;
	v15 =	vmul.f32 v18, v4;
	v18 =	vtrunc.f32 v10;
	v13 =	vld [tilespmem:s22+$0x15]  }
0xd8: {  	v8 =	vsub.s32 v8, v14;
	s23 =	sadd.s32 $0x80, s19;
	v6 =	vadd.s32 v16, v6;
	v21 =	vmul.f32 v22, v4;
	v11 =	vld [tilespmem:s22+$0x10]  }
0xd9: {  	v10 =	vsub.s32 v12, v7;
	s23 =	sand.u32 $0x780, s23;
	v17 =	vmul.f32 v17, v4;
	v15 =	vadd.f32 v15, v3;
	v22 =	vld [tilespmem:s22+$0x0]  }
0xda: {  	s23 =	sshrl.u32 s23, $0x2;
	v7 =	vadd.f32 v21, v3;
	v21 =	vcvt.f32.s32 v18;
	v14 =	vmul.f32 v23, v4  }
.Ltmp5:
0xdb: {  	v16 =	vmul.u32 v8, v8;
	v23 =	vcvt.f32.s32 v24;
	v24 =	vcvt.f32.s32 v25;
	v18 =	vld [tilespmem:s23+$0x10100];
	(pc) =	sbr.rel @p0 .LBB2_12-.Ltmp5, $4  }
0xdc: {  	v12 =	vadd.f32 v17, v3;
	v25 =	vtrunc.f32 v15;
	v15 =	vcvt.f32.s32 v20;
	s23 =	sand.u32 $0x700, s19;
	s19 =	smov.u32 s21  }
0xdd: {  	v6 =	vadd.s32 v19, v6;
	v7 =	vtrunc.f32 v7;
	v23 =	vsub.s32 v23, v24;
	v17 =	vld [tilespmem:s22+$0x5];
	s22 =	sshrl.u32 s23, $0x2  }
0xde: {  	v8 =	vcvt.f32.s32 v7;
	v19 =	vsub.s32 v15, v21;
	v20 =	vmul.f32 v22, v4;
	v15 =	vld [tilespmem:s22+$0x10100]  }
0xdf: {  	s21 =	sadd.s32 $0x100, s21;
	v7 =	vcvt.f32.s32 v25;
	v19 =	vmul.u32 v19, v19;
	v21 =	vmul.u32 v23, v23  }
0xe0: {  	s20 =	sadd.s32 $0xC0, s19  }
0xe1: {  	s21 =	sadd.s32 $0x40, s19;
	s20 =	sand.u32 $0x7C0, s20  }
0xe2: {  	s22 =	sadd.s32 $0x80, s19;
	s21 =	sand.u32 $0x740, s21;
	s20 =	sshrl.u32 s20, $0x2  }
0xe3: {  	v13 =	vmul.f32 v13, v4;
	v14 =	vadd.f32 v14, v3;
	s31 =	sand.u32 $0x780, s22;
	s30 =	sshrl.u32 s21, $0x2;
	v22 =	vld [tilespmem:s20+$0x10100]  }
0xe4: {  	v16 =	vand.u32 v18, v16;
	v18 =	vadd.f32 v20, v3;
	v11 =	vmul.f32 v11, v4;
	s22 =	sand.u32 $0x700, s19;
	s21 =	sshrl.u32 s31, $0x2;
	v23 =	vld [tilespmem:s30+$0x10100]  }
0xe5: {  	s23 =	simm.s32 $0x0;
	v10 =	vmul.u32 v10, v10;
	v12 =	vtrunc.f32 v12;
	v9 =	vand.u32 v9, v21;
	s19 =	sshrl.u32 s22, $0x2;
	v20 =	vld [tilespmem:s21+$0x10100]  }
0xe6: {  	v17 =	vmul.f32 v17, v4;
	v13 =	vadd.f32 v13, v3;
	v18 =	vtrunc.f32 v18;
	v21 =	vld [tilespmem:s19+$0x10100];
	[tilespmem:s23], [sflag:$0x1] =	stream.linear.gather [hbm4b:s5+s23], $0x8000, $0x38  }
0xe7: {  	v11 =	vadd.f32 v11, v3;
	v14 =	vtrunc.f32 v14;
	v5 =	vand.u32 v5, v10;
	_ =	swait.ge [sflag:s13], $0x8000  }
0xe8: {  	v10 =	vcvt.f32.s32 v12;
	v14 =	vcvt.f32.s32 v14;
	v17 =	vadd.f32 v17, v3;
	[sflag:s13] =	ssyncset.done $0x0  }
0xe9: {  	s24 =	simm.s32 $0x0;
	v15 =	vand.u32 v15, v19;
	v11 =	vtrunc.f32 v11;
	v12 =	vtrunc.f32 v13;
	[sflag:s13] =	ssyncadd.s32 $0xFFFF8000  }
0xea: {  	v6 =	vadd.s32 v6, v15;
	v7 =	vsub.s32 v10, v7;
	v13 =	vtrunc.f32 v17;
	v15 =	vld [tilespmem:s24+$0x80B5]  }
0xeb: {  	v6 =	vadd.s32 v9, v6;
	v11 =	vcvt.f32.s32 v11;
	v9 =	vcvt.f32.s32 v13;
	v13 =	vld [tilespmem:s24+$0x80A0]  }
0xec: {  	v8 =	vsub.s32 v8, v14;
	v12 =	vcvt.f32.s32 v12;
	v14 =	vcvt.f32.s32 v18;
	v10 =	vld [tilespmem:s24+$0x80B0]  }
0xed: {  	v6 =	vadd.s32 v16, v6;
	v8 =	vmul.u32 v8, v8  }
0xee: {  	v11 =	vsub.s32 v11, v12;
	v5 =	vadd.s32 v5, v6;
	v6 =	vsub.s32 v14, v9;
	v9 =	vld [tilespmem:s24+$0x80A5]  }
0xef: {  	v7 =	vmul.u32 v7, v7;
	v16 =	vld [tilespmem:s24+$0x8090];
	v11 =	vmul.u32 v11, v11;
	v6 =	vmul.u32 v6, v6  }
0xf0: {  	v8 =	vand.u32 v20, v8;
	v14 =	vld [tilespmem:s24+$0x8080];
	v12 =	vmul.f32 v15, v4;
	v13 =	vmul.f32 v13, v4  }
0xf1: {  	v17 =	vld [tilespmem:s24+$0x8085];
	v11 =	vand.u32 v23, v11;
	v6 =	vand.u32 v21, v6;
	v10 =	vmul.f32 v10, v4  }
0xf2: {  	v15 =	vld [tilespmem:s24+$0x8095];
	v5 =	vadd.s32 v5, v6;
	v12 =	vadd.f32 v12, v3;
	v13 =	vadd.f32 v13, v3  }
0xf3: {  	v7 =	vand.u32 v22, v7;
	v6 =	vmul.f32 v9, v4;
	v5 =	vadd.s32 v11, v5  }
0xf4: {  	v10 =	vadd.f32 v10, v3;
	v9 =	vtrunc.f32 v12;
	v11 =	vtrunc.f32 v13  }
0xf5: {  	s25 =	simm.s32 $0x40;
	v5 =	vadd.s32 v8, v5;
	v12 =	vmul.f32 v14, v4;
	v13 =	vmul.f32 v16, v4  }
0xf6: {  	v6 =	vadd.f32 v6, v3;
	v16 =	vmul.f32 v17, v4;
	v17 =	vld [tilespmem:s25+$0x80B0];
	v10 =	vtrunc.f32 v10  }
0xf7: {  	v5 =	vadd.s32 v7, v5;
	v14 =	vmul.f32 v15, v4;
	v15 =	vld [tilespmem:s25+$0x80A0];
	v12 =	vadd.f32 v12, v3  }
0xf8: {  	v7 =	vimm.s32 $0x0;
	v8 =	vcvt.f32.s32 v11;
	v11 =	vld [tilespmem:s25+$0x80B5];
	v6 =	vtrunc.f32 v6  }
0xf9: {  	s26 =	simm.s32 $0xC0;
	v19 =	vcvt.f32.s32 v6;
	v18 =	vtrunc.f32 v12;
	v12 =	vadd.f32 v13, v3  }
0xfa: {  	s21 =	sand.u32 $0x7C0, s26;
	v9 =	vcvt.f32.s32 v9;
	v20 =	vcvt.f32.s32 v10;
	v13 =	vadd.f32 v14, v3;
	v14 =	vld [tilespmem:s25+$0x80A5]  }
0xfb: {  	s30 =	simm.s32 $0x80;
	s21 =	sshrl.u32 s21, $0x2;
	v22 =	vld [tilespmem:s25+$0x8080];
	v8 =	vsub.s32 v8, v19;
	v19 =	vmul.f32 v17, v4;
	v12 =	vtrunc.f32 v12  }
0xfc: {  	v16 =	vadd.f32 v16, v3;
	v6 =	vld [tilespmem:s21+$0x10100];
	s21 =	sand.u32 $0x780, s30;
	v13 =	vtrunc.f32 v13;
	v21 =	vmul.f32 v15, v4  }
0xfd: {  	s28 =	simm.s32 $0x40;
	s21 =	sshrl.u32 s21, $0x2;
	v10 =	vmul.f32 v11, v4;
	v11 =	vsub.s32 v20, v9;
	v20 =	vcvt.f32.s32 v12;
	v12 =	vld [tilespmem:s25+$0x8090]  }
0xfe: {  	s22 =	sand.u32 $0x740, s28;
	v9 =	vadd.f32 v21, v3;
	v21 =	vcvt.f32.s32 v13;
	v13 =	vadd.f32 v19, v3;
	v19 =	vld [tilespmem:s21+$0x10100]  }
0xff: {  	s29 =	sshrl.u32 s22, $0x2;
	v16 =	vtrunc.f32 v16;
	v23 =	vadd.f32 v10, v3;
	v15 =	vmul.f32 v14, v4;
	v14 =	vld [tilespmem:s25+$0x8095]  }
0x100: {  	s19 =	sand.u32 $0x700, s23;
	v16 =	vcvt.f32.s32 v16;
	v17 =	vmul.u32 v8, v8;
	v8 =	vcvt.f32.s32 v18;
	v10 =	vld [tilespmem:s29+$0x10100]  }
0x101: {  	s31 =	sshrl.u32 s19, $0x2;
	v18 =	vld [tilespmem:s25+$0x8085];
	v23 =	vtrunc.f32 v23;
	v9 =	vtrunc.f32 v9;
	v24 =	vsub.s32 v20, v21  }
0x102: {  	v21 =	vmul.f32 v22, v4;
	v20 =	vsub.s32 v8, v16;
	v16 =	vld [tilespmem:s31+$0x10100];
	v9 =	vcvt.f32.s32 v9  }
0x103: {  	s20 =	simm.s32 $0x4;
	s19 =	simm.s32 $0x100;
	s21 =	simm.s32 $0x200;
	v8 =	vcvt.f32.s32 v23;
	v20 =	vmul.u32 v20, v20;
	v22 =	vmul.u32 v24, v24  }
.LBB2_14:
0x104: {  	s22 =	sshra.s32 s21, $0x2;
	s20 =	sadd.s32 $0x4, s20;
	v14 =	vmul.f32 v14, v4;
	v15 =	vadd.f32 v15, v3;
	v17 =	vand.u32 v19, v17  }
0x105: {  	v21 =	vadd.f32 v21, v3;
	v12 =	vmul.f32 v12, v4;
	s23 =	sadd.s32 $0xC0, s19;
	v19 =	vld [tilespmem:s22+$0x80B5];
	p0 =	slt.u32 s20, $0x7FC;
	v22 =	vand.u32 v10, v22  }
0x106: {  	v11 =	vmul.u32 v11, v11;
	s23 =	sand.u32 $0x7C0, s23;
	v23 =	vld [tilespmem:s22+$0x80A0];
	v10 =	vmul.f32 v18, v4;
	v14 =	vadd.f32 v14, v3  }
0x107: {  	s24 =	sadd.s32 $0x40, s19;
	v13 =	vtrunc.f32 v13;
	v21 =	vtrunc.f32 v21;
	s23 =	sshrl.u32 s23, $0x2;
	v18 =	vld [tilespmem:s22+$0x80B0];
	v16 =	vand.u32 v16, v20  }
0x108: {  	s24 =	sand.u32 $0x740, s24;
	v12 =	vadd.f32 v12, v3;
	v15 =	vtrunc.f32 v15;
	v20 =	vand.u32 v6, v11;
	v6 =	vld [tilespmem:s23+$0x10100]  }
0x109: {  	v13 =	vcvt.f32.s32 v13;
	v15 =	vcvt.f32.s32 v15;
	v11 =	vadd.f32 v10, v3;
	s23 =	sshrl.u32 s24, $0x2;
	v24 =	vld [tilespmem:s22+$0x80A5]  }
0x10a: {  	v25 =	vtrunc.f32 v12;
	v26 =	vtrunc.f32 v14;
	v7 =	vadd.s32 v7, v16;
	v10 =	vld [tilespmem:s23+$0x10100]  }
0x10b: {  	v7 =	vadd.s32 v22, v7;
	v16 =	vmul.f32 v19, v4;
	v19 =	vtrunc.f32 v11;
	v14 =	vld [tilespmem:s22+$0x8095]  }
0x10c: {  	v9 =	vsub.s32 v9, v15;
	s23 =	sadd.s32 $0x80, s19;
	v7 =	vadd.s32 v17, v7;
	v22 =	vmul.f32 v23, v4;
	v12 =	vld [tilespmem:s22+$0x8090]  }
0x10d: {  	v11 =	vsub.s32 v13, v8;
	s23 =	sand.u32 $0x780, s23;
	v18 =	vmul.f32 v18, v4;
	v16 =	vadd.f32 v16, v3;
	v23 =	vld [tilespmem:s22+$0x8080]  }
0x10e: {  	s23 =	sshrl.u32 s23, $0x2;
	v8 =	vadd.f32 v22, v3;
	v22 =	vcvt.f32.s32 v19;
	v15 =	vmul.f32 v24, v4  }
.Ltmp6:
0x10f: {  	v17 =	vmul.u32 v9, v9;
	v24 =	vcvt.f32.s32 v25;
	v25 =	vcvt.f32.s32 v26;
	v19 =	vld [tilespmem:s23+$0x10100];
	(pc) =	sbr.rel @p0 .LBB2_14-.Ltmp6, $4  }
0x110: {  	v13 =	vadd.f32 v18, v3;
	v26 =	vtrunc.f32 v16;
	v16 =	vcvt.f32.s32 v21;
	s23 =	sand.u32 $0x700, s19;
	s19 =	smov.u32 s21  }
0x111: {  	v7 =	vadd.s32 v20, v7;
	v8 =	vtrunc.f32 v8;
	v24 =	vsub.s32 v24, v25;
	v18 =	vld [tilespmem:s22+$0x8085];
	s22 =	sshrl.u32 s23, $0x2  }
0x112: {  	v9 =	vcvt.f32.s32 v8;
	v20 =	vsub.s32 v16, v22;
	v21 =	vmul.f32 v23, v4;
	v16 =	vld [tilespmem:s22+$0x10100]  }
0x113: {  	s21 =	sadd.s32 $0x100, s21;
	v8 =	vcvt.f32.s32 v26;
	v20 =	vmul.u32 v20, v20;
	v22 =	vmul.u32 v24, v24  }
0x114: {  	s20 =	sadd.s32 $0xC0, s19  }
0x115: {  	s21 =	sadd.s32 $0x40, s19;
	s20 =	sand.u32 $0x7C0, s20  }
0x116: {  	s22 =	sadd.s32 $0x80, s19;
	s21 =	sand.u32 $0x740, s21;
	s20 =	sshrl.u32 s20, $0x2  }
0x117: {  	v14 =	vmul.f32 v14, v4;
	v15 =	vadd.f32 v15, v3;
	s31 =	sand.u32 $0x780, s22;
	s30 =	sshrl.u32 s21, $0x2;
	v23 =	vld [tilespmem:s20+$0x10100]  }
0x118: {  	v17 =	vand.u32 v19, v17;
	v19 =	vadd.f32 v21, v3;
	v12 =	vmul.f32 v12, v4;
	s22 =	sand.u32 $0x700, s19;
	s21 =	sshrl.u32 s31, $0x2;
	v24 =	vld [tilespmem:s30+$0x10100]  }
0x119: {  	s23 =	simm.s32 $0x0;
	v11 =	vmul.u32 v11, v11;
	v13 =	vtrunc.f32 v13;
	v10 =	vand.u32 v10, v22;
	s19 =	sshrl.u32 s22, $0x2;
	v21 =	vld [tilespmem:s21+$0x10100]  }
0x11a: {  	v18 =	vmul.f32 v18, v4;
	v14 =	vadd.f32 v14, v3;
	v19 =	vtrunc.f32 v19;
	v22 =	vld [tilespmem:s19+$0x10100];
	[tilespmem:s11], [sflag:$0x2] =	stream.linear.gather [hbm4b:s6+s23], $0x8000, $0x38  }
0x11b: {  	v12 =	vadd.f32 v12, v3;
	v15 =	vtrunc.f32 v15;
	v6 =	vand.u32 v6, v11;
	_ =	swait.ge [sflag:s12], $0x8000  }
0x11c: {  	v11 =	vcvt.f32.s32 v13;
	v15 =	vcvt.f32.s32 v15;
	v18 =	vadd.f32 v18, v3;
	[sflag:s12] =	ssyncset.done $0x0  }
0x11d: {  	s24 =	simm.s32 $0x0;
	v16 =	vand.u32 v16, v20;
	v12 =	vtrunc.f32 v12;
	v13 =	vtrunc.f32 v14;
	[sflag:s12] =	ssyncadd.s32 $0xFFFF8000  }
0x11e: {  	v7 =	vadd.s32 v7, v16;
	v8 =	vsub.s32 v11, v8;
	v14 =	vtrunc.f32 v18;
	v16 =	vld [tilespmem:s24+$0x35]  }
0x11f: {  	v7 =	vadd.s32 v10, v7;
	v12 =	vcvt.f32.s32 v12;
	v10 =	vcvt.f32.s32 v14;
	v14 =	vld [tilespmem:s24+$0x20]  }
0x120: {  	v9 =	vsub.s32 v9, v15;
	v13 =	vcvt.f32.s32 v13;
	v15 =	vcvt.f32.s32 v19;
	v11 =	vld [tilespmem:s24+$0x30]  }
0x121: {  	v7 =	vadd.s32 v17, v7;
	v9 =	vmul.u32 v9, v9  }
0x122: {  	v12 =	vsub.s32 v12, v13;
	v6 =	vadd.s32 v6, v7;
	v7 =	vsub.s32 v15, v10;
	v10 =	vld [tilespmem:s24+$0x25]  }
0x123: {  	v8 =	vmul.u32 v8, v8;
	v17 =	vld [tilespmem:s24+$0x10];
	v12 =	vmul.u32 v12, v12;
	v7 =	vmul.u32 v7, v7  }
0x124: {  	v9 =	vand.u32 v21, v9;
	v15 =	vld [tilespmem:s24+$0x0];
	v13 =	vmul.f32 v16, v4;
	v14 =	vmul.f32 v14, v4  }
0x125: {  	v18 =	vld [tilespmem:s24+$0x5];
	v12 =	vand.u32 v24, v12;
	v7 =	vand.u32 v22, v7;
	v11 =	vmul.f32 v11, v4  }
0x126: {  	v6 =	vadd.s32 v6, v7;
	v13 =	vadd.f32 v13, v3;
	v14 =	vadd.f32 v14, v3  }
0x127: {  	v8 =	vand.u32 v23, v8;
	v16 =	vld [tilespmem:s24+$0x15];
	v7 =	vmul.f32 v10, v4;
	v6 =	vadd.s32 v12, v6  }
0x128: {  	v11 =	vadd.f32 v11, v3;
	v10 =	vtrunc.f32 v13;
	v12 =	vtrunc.f32 v14  }
0x129: {  	s25 =	simm.s32 $0x40;
	v6 =	vadd.s32 v9, v6;
	v13 =	vmul.f32 v15, v4;
	v14 =	vmul.f32 v17, v4  }
0x12a: {  	v7 =	vadd.f32 v7, v3;
	v17 =	vmul.f32 v18, v4;
	v18 =	vld [tilespmem:s25+$0x30];
	v11 =	vtrunc.f32 v11  }
0x12b: {  	v6 =	vadd.s32 v8, v6;
	v9 =	vcvt.f32.s32 v12;
	v10 =	vcvt.f32.s32 v10;
	v12 =	vld [tilespmem:s25+$0x35]  }
0x12c: {  	s26 =	simm.s32 $0xC0;
	v15 =	vmul.f32 v16, v4;
	v16 =	vld [tilespmem:s25+$0x20];
	v13 =	vadd.f32 v13, v3;
	v7 =	vtrunc.f32 v7  }
0x12d: {  	s21 =	sand.u32 $0x7C0, s26;
	v21 =	vcvt.f32.s32 v11;
	v17 =	vadd.f32 v17, v3;
	v19 =	vcvt.f32.s32 v7  }
0x12e: {  	s30 =	simm.s32 $0x80;
	s21 =	sshrl.u32 s21, $0x2;
	v20 =	vtrunc.f32 v13;
	v13 =	vadd.f32 v14, v3;
	v14 =	vadd.f32 v15, v3;
	v15 =	vld [tilespmem:s25+$0x25]  }
0x12f: {  	s28 =	simm.s32 $0x40;
	v8 =	vimm.s32 $0x0;
	v7 =	vld [tilespmem:s21+$0x10100];
	s21 =	sand.u32 $0x780, s30;
	v17 =	vtrunc.f32 v17;
	v18 =	vmul.f32 v18, v4  }
0x130: {  	s22 =	sand.u32 $0x740, s28;
	v23 =	vld [tilespmem:s25+$0x0];
	s21 =	sshrl.u32 s21, $0x2;
	v9 =	vsub.s32 v9, v19;
	v17 =	vcvt.f32.s32 v17;
	v11 =	vmul.f32 v12, v4  }
0x131: {  	s29 =	sshrl.u32 s22, $0x2;
	v14 =	vtrunc.f32 v14;
	v22 =	vmul.f32 v16, v4;
	v12 =	vsub.s32 v21, v10;
	v21 =	vld [tilespmem:s21+$0x10100]  }
0x132: {  	v13 =	vtrunc.f32 v13;
	v25 =	vcvt.f32.s32 v14;
	v62 =	vadd.f32 v11, v3;
	v11 =	vld [tilespmem:s29+$0x10100]  }
0x133: {  	v10 =	vadd.f32 v22, v3;
	v22 =	vcvt.f32.s32 v13;
	v16 =	vmul.f32 v15, v4;
	v15 =	vld [tilespmem:s25+$0x15]  }
0x134: {  	s19 =	sand.u32 $0x700, s23;
	v19 =	vmul.u32 v9, v9;
	v9 =	vcvt.f32.s32 v20;
	v14 =	vadd.f32 v18, v3;
	v13 =	vld [tilespmem:s25+$0x10]  }
0x135: {  	s31 =	sshrl.u32 s19, $0x2;
	v18 =	vld [tilespmem:s25+$0x5];
	v20 =	vtrunc.f32 v62;
	v10 =	vtrunc.f32 v10;
	v63 =	vsub.s32 v22, v25  }
0x136: {  	v22 =	vmul.f32 v23, v4;
	v23 =	vsub.s32 v9, v17;
	v17 =	vld [tilespmem:s31+$0x10100];
	v10 =	vcvt.f32.s32 v10  }
0x137: {  	s20 =	simm.s32 $0x4;
	s19 =	simm.s32 $0x100;
	s21 =	simm.s32 $0x200;
	v9 =	vcvt.f32.s32 v20;
	v20 =	vmul.u32 v23, v23;
	v23 =	vmul.u32 v63, v63  }
.LBB2_16:
0x138: {  	s22 =	sshra.s32 s21, $0x2;
	s20 =	sadd.s32 $0x4, s20;
	v15 =	vmul.f32 v15, v4;
	v16 =	vadd.f32 v16, v3;
	v19 =	vand.u32 v21, v19  }
0x139: {  	v22 =	vadd.f32 v22, v3;
	v13 =	vmul.f32 v13, v4;
	s23 =	sadd.s32 $0xC0, s19;
	v21 =	vld [tilespmem:s22+$0x35];
	p0 =	slt.u32 s20, $0x7FC;
	v23 =	vand.u32 v11, v23  }
0x13a: {  	v12 =	vmul.u32 v12, v12;
	s23 =	sand.u32 $0x7C0, s23;
	v24 =	vld [tilespmem:s22+$0x20];
	v11 =	vmul.f32 v18, v4;
	v15 =	vadd.f32 v15, v3  }
0x13b: {  	s24 =	sadd.s32 $0x40, s19;
	v14 =	vtrunc.f32 v14;
	v22 =	vtrunc.f32 v22;
	s23 =	sshrl.u32 s23, $0x2;
	v18 =	vld [tilespmem:s22+$0x30];
	v17 =	vand.u32 v17, v20  }
0x13c: {  	s24 =	sand.u32 $0x740, s24;
	v13 =	vadd.f32 v13, v3;
	v16 =	vtrunc.f32 v16;
	v20 =	vand.u32 v7, v12;
	v7 =	vld [tilespmem:s23+$0x10100]  }
0x13d: {  	v14 =	vcvt.f32.s32 v14;
	v16 =	vcvt.f32.s32 v16;
	v12 =	vadd.f32 v11, v3;
	s23 =	sshrl.u32 s24, $0x2;
	v25 =	vld [tilespmem:s22+$0x25]  }
0x13e: {  	v26 =	vtrunc.f32 v13;
	v27 =	vtrunc.f32 v15;
	v8 =	vadd.s32 v8, v17;
	v11 =	vld [tilespmem:s23+$0x10100]  }
0x13f: {  	v8 =	vadd.s32 v23, v8;
	v17 =	vmul.f32 v21, v4;
	v21 =	vtrunc.f32 v12;
	v15 =	vld [tilespmem:s22+$0x15]  }
0x140: {  	v10 =	vsub.s32 v10, v16;
	s23 =	sadd.s32 $0x80, s19;
	v8 =	vadd.s32 v19, v8;
	v23 =	vmul.f32 v24, v4;
	v13 =	vld [tilespmem:s22+$0x10]  }
0x141: {  	v12 =	vsub.s32 v14, v9;
	s23 =	sand.u32 $0x780, s23;
	v18 =	vmul.f32 v18, v4;
	v17 =	vadd.f32 v17, v3;
	v24 =	vld [tilespmem:s22+$0x0]  }
0x142: {  	s23 =	sshrl.u32 s23, $0x2;
	v9 =	vadd.f32 v23, v3;
	v23 =	vcvt.f32.s32 v21;
	v16 =	vmul.f32 v25, v4  }
.Ltmp7:
0x143: {  	v19 =	vmul.u32 v10, v10;
	v25 =	vcvt.f32.s32 v26;
	v26 =	vcvt.f32.s32 v27;
	v21 =	vld [tilespmem:s23+$0x10100];
	(pc) =	sbr.rel @p0 .LBB2_16-.Ltmp7, $4  }
0x144: {  	v14 =	vadd.f32 v18, v3;
	v27 =	vtrunc.f32 v17;
	v17 =	vcvt.f32.s32 v22;
	s23 =	sand.u32 $0x700, s19;
	s19 =	smov.u32 s21  }
0x145: {  	v8 =	vadd.s32 v20, v8;
	v9 =	vtrunc.f32 v9;
	v25 =	vsub.s32 v25, v26;
	v18 =	vld [tilespmem:s22+$0x5];
	s22 =	sshrl.u32 s23, $0x2  }
0x146: {  	v10 =	vcvt.f32.s32 v9;
	v20 =	vsub.s32 v17, v23;
	v22 =	vmul.f32 v24, v4;
	v17 =	vld [tilespmem:s22+$0x10100]  }
0x147: {  	s21 =	sadd.s32 $0x100, s21;
	v9 =	vcvt.f32.s32 v27;
	v20 =	vmul.u32 v20, v20;
	v23 =	vmul.u32 v25, v25  }
0x148: {  	s20 =	sadd.s32 $0xC0, s19  }
0x149: {  	s21 =	sadd.s32 $0x40, s19;
	s20 =	sand.u32 $0x7C0, s20  }
0x14a: {  	s22 =	sadd.s32 $0x80, s19;
	v15 =	vmul.f32 v15, v4;
	s21 =	sand.u32 $0x740, s21;
	s20 =	sshrl.u32 s20, $0x2  }
0x14b: {  	v16 =	vadd.f32 v16, v3;
	v19 =	vand.u32 v21, v19;
	v21 =	vadd.f32 v22, v3;
	s31 =	sand.u32 $0x780, s22;
	s30 =	sshrl.u32 s21, $0x2;
	v24 =	vld [tilespmem:s20+$0x10100]  }
0x14c: {  	v13 =	vmul.f32 v13, v4;
	v12 =	vmul.u32 v12, v12;
	v14 =	vtrunc.f32 v14;
	s22 =	sand.u32 $0x700, s19;
	s21 =	sshrl.u32 s31, $0x2;
	v22 =	vld [tilespmem:s30+$0x10100]  }
0x14d: {  	v11 =	vand.u32 v11, v23;
	v18 =	vmul.f32 v18, v4;
	s19 =	sshrl.u32 s22, $0x2;
	v15 =	vadd.f32 v15, v3;
	v23 =	vld [tilespmem:s21+$0x10100]  }
0x14e: {  	v21 =	vtrunc.f32 v21;
	v13 =	vadd.f32 v13, v3;
	v16 =	vtrunc.f32 v16;
	v25 =	vld [tilespmem:s19+$0x10100];
	_ =	swait.ge [sflag:s13], $0x8000  }
0x14f: {  	v7 =	vand.u32 v7, v12;
	v12 =	vcvt.f32.s32 v14;
	v17 =	vand.u32 v17, v20;
	[sflag:s13] =	ssyncset.done $0x0  }
0x150: {  	s23 =	simm.s32 $0x0;
	v16 =	vcvt.f32.s32 v16;
	v18 =	vadd.f32 v18, v3;
	v13 =	vtrunc.f32 v13;
	[sflag:s13] =	ssyncadd.s32 $0xFFFF8000  }
0x151: {  	v14 =	vtrunc.f32 v15;
	v8 =	vadd.s32 v8, v17;
	v9 =	vsub.s32 v12, v9;
	v17 =	vld [tilespmem:s23+$0x80B5]  }
0x152: {  	v8 =	vadd.s32 v11, v8;
	v13 =	vcvt.f32.s32 v13;
	v15 =	vtrunc.f32 v18;
	v12 =	vld [tilespmem:s23+$0x80B0]  }
0x153: {  	v10 =	vsub.s32 v10, v16;
	v16 =	vcvt.f32.s32 v21;
	v11 =	vcvt.f32.s32 v15;
	v15 =	vld [tilespmem:s23+$0x80A0]  }
0x154: {  	v14 =	vcvt.f32.s32 v14;
	v9 =	vmul.u32 v9, v9;
	v8 =	vadd.s32 v19, v8  }
0x155: {  	v10 =	vmul.u32 v10, v10;
	v7 =	vadd.s32 v7, v8;
	v8 =	vsub.s32 v16, v11;
	v11 =	vld [tilespmem:s23+$0x80A5]  }
0x156: {  	v13 =	vsub.s32 v13, v14;
	v16 =	vld [tilespmem:s23+$0x8080];
	v8 =	vmul.u32 v8, v8;
	v14 =	vmul.f32 v17, v4  }
0x157: {  	v18 =	vld [tilespmem:s23+$0x8090];
	v13 =	vmul.u32 v13, v13;
	v10 =	vand.u32 v23, v10;
	v12 =	vmul.f32 v12, v4  }
0x158: {  	v17 =	vld [tilespmem:s23+$0x8095];
	v15 =	vmul.f32 v15, v4;
	v8 =	vand.u32 v25, v8;
	v14 =	vadd.f32 v14, v3  }
0x159: {  	v19 =	vld [tilespmem:s23+$0x8085];
	v13 =	vand.u32 v22, v13;
	v7 =	vadd.s32 v7, v8;
	v12 =	vadd.f32 v12, v3  }
0x15a: {  	v15 =	vadd.f32 v15, v3;
	v8 =	vmul.f32 v11, v4;
	v11 =	vtrunc.f32 v14  }
0x15b: {  	v7 =	vadd.s32 v13, v7;
	v14 =	vmul.f32 v16, v4;
	v12 =	vtrunc.f32 v12  }
0x15c: {  	s24 =	simm.s32 $0x40;
	v7 =	vadd.s32 v10, v7;
	v13 =	vtrunc.f32 v15;
	v11 =	vcvt.f32.s32 v11  }
0x15d: {  	v15 =	vmul.f32 v18, v4;
	v16 =	vmul.f32 v17, v4;
	v17 =	vld [tilespmem:s24+$0x80A0];
	v14 =	vadd.f32 v14, v3  }
0x15e: {  	v8 =	vadd.f32 v8, v3;
	v18 =	vmul.f32 v19, v4;
	v19 =	vld [tilespmem:s24+$0x80B0];
	v22 =	vcvt.f32.s32 v12  }
0x15f: {  	v10 =	vcvt.f32.s32 v13;
	v13 =	vld [tilespmem:s24+$0x80B5];
	v21 =	vtrunc.f32 v14;
	v14 =	vadd.f32 v15, v3  }
0x160: {  	s25 =	simm.s32 $0xC0;
	v8 =	vtrunc.f32 v8;
	v18 =	vadd.f32 v18, v3;
	v15 =	vadd.f32 v16, v3  }
0x161: {  	s20 =	sand.u32 $0x7C0, s25;
	v9 =	vand.u32 v24, v9;
	v24 =	vld [tilespmem:s24+$0x8080];
	v20 =	vcvt.f32.s32 v8;
	v23 =	vtrunc.f32 v14  }
0x162: {  	s20 =	sshrl.u32 s20, $0x2;
	v7 =	vadd.s32 v9, v7;
	v16 =	vld [tilespmem:s24+$0x80A5];
	v15 =	vtrunc.f32 v15;
	v14 =	vtrunc.f32 v18  }
0x163: {  	s29 =	simm.s32 $0x80;
	v8 =	vld [tilespmem:s20+$0x10100];
	v18 =	vmul.f32 v17, v4;
	v10 =	vsub.s32 v10, v20;
	v19 =	vmul.f32 v19, v4  }
0x164: {  	s26 =	simm.s32 $0x40;
	s20 =	sand.u32 $0x780, s29;
	v12 =	vmul.f32 v13, v4;
	v13 =	vsub.s32 v22, v11;
	v26 =	vcvt.f32.s32 v14;
	v14 =	vld [tilespmem:s24+$0x8095]  }
0x165: {  	s21 =	sand.u32 $0x740, s26;
	s20 =	sshrl.u32 s20, $0x2;
	v22 =	vcvt.f32.s32 v15;
	v15 =	vld [tilespmem:s24+$0x8090];
	v20 =	vmul.u32 v10, v10;
	v10 =	vcvt.f32.s32 v21  }
0x166: {  	s30 =	simm.s32 $0x0;
	s28 =	sshrl.u32 s21, $0x2;
	v21 =	vld [tilespmem:s20+$0x10100];
	v11 =	vadd.f32 v18, v3;
	v18 =	vcvt.f32.s32 v23;
	v25 =	vadd.f32 v12, v3  }
0x167: {  	s31 =	sand.u32 $0x700, s30;
	v9 =	vimm.s32 $0x0;
	v12 =	vld [tilespmem:s28+$0x10100];
	v17 =	vmul.f32 v16, v4;
	v16 =	vadd.f32 v19, v3  }
0x168: {  	s21 =	sshrl.u32 s31, $0x2;
	v11 =	vtrunc.f32 v11;
	v19 =	vtrunc.f32 v25;
	v25 =	vsub.s32 v18, v22;
	v22 =	vld [tilespmem:s24+$0x8085]  }
0x169: {  	v23 =	vmul.f32 v24, v4;
	v24 =	vsub.s32 v10, v26;
	v11 =	vcvt.f32.s32 v11;
	v18 =	vld [tilespmem:s21+$0x10100]  }
0x16a: {  	s19 =	simm.s32 $0x100;
	s20 =	simm.s32 $0x4;
	s21 =	simm.s32 $0x200;
	v10 =	vcvt.f32.s32 v19;
	v19 =	vmul.u32 v24, v24;
	v24 =	vmul.u32 v25, v25  }
.LBB2_18:
0x16b: {  	s22 =	sshra.s32 s21, $0x2;
	s20 =	sadd.s32 $0x4, s20;
	v14 =	vmul.f32 v14, v4;
	v17 =	vadd.f32 v17, v3;
	v20 =	vand.u32 v21, v20  }
0x16c: {  	v23 =	vadd.f32 v23, v3;
	v15 =	vmul.f32 v15, v4;
	s23 =	sadd.s32 $0xC0, s19;
	v21 =	vld [tilespmem:s22+$0x80B5];
	p0 =	slt.u32 s20, $0x7FC;
	v24 =	vand.u32 v12, v24  }
0x16d: {  	v13 =	vmul.u32 v13, v13;
	s23 =	sand.u32 $0x7C0, s23;
	v25 =	vld [tilespmem:s22+$0x80A0];
	v12 =	vmul.f32 v22, v4;
	v14 =	vadd.f32 v14, v3  }
0x16e: {  	s24 =	sadd.s32 $0x40, s19;
	v16 =	vtrunc.f32 v16;
	v23 =	vtrunc.f32 v23;
	s23 =	sshrl.u32 s23, $0x2;
	v22 =	vld [tilespmem:s22+$0x80B0];
	v18 =	vand.u32 v18, v19  }
0x16f: {  	s24 =	sand.u32 $0x740, s24;
	v15 =	vadd.f32 v15, v3;
	v17 =	vtrunc.f32 v17;
	v19 =	vand.u32 v8, v13;
	v8 =	vld [tilespmem:s23+$0x10100]  }
0x170: {  	v16 =	vcvt.f32.s32 v16;
	v17 =	vcvt.f32.s32 v17;
	v13 =	vadd.f32 v12, v3;
	s23 =	sshrl.u32 s24, $0x2;
	v26 =	vld [tilespmem:s22+$0x80A5]  }
0x171: {  	v27 =	vtrunc.f32 v15;
	v28 =	vtrunc.f32 v14;
	v9 =	vadd.s32 v9, v18;
	v12 =	vld [tilespmem:s23+$0x10100]  }
0x172: {  	v9 =	vadd.s32 v24, v9;
	v18 =	vmul.f32 v21, v4;
	v21 =	vtrunc.f32 v13;
	v14 =	vld [tilespmem:s22+$0x8095]  }
0x173: {  	v11 =	vsub.s32 v11, v17;
	s23 =	sadd.s32 $0x80, s19;
	v9 =	vadd.s32 v20, v9;
	v24 =	vmul.f32 v25, v4;
	v15 =	vld [tilespmem:s22+$0x8090]  }
0x174: {  	v13 =	vsub.s32 v16, v10;
	s23 =	sand.u32 $0x780, s23;
	v22 =	vmul.f32 v22, v4;
	v18 =	vadd.f32 v18, v3;
	v25 =	vld [tilespmem:s22+$0x8080]  }
0x175: {  	s23 =	sshrl.u32 s23, $0x2;
	v10 =	vadd.f32 v24, v3;
	v24 =	vcvt.f32.s32 v21;
	v17 =	vmul.f32 v26, v4  }
.Ltmp8:
0x176: {  	v20 =	vmul.u32 v11, v11;
	v26 =	vcvt.f32.s32 v27;
	v27 =	vcvt.f32.s32 v28;
	v21 =	vld [tilespmem:s23+$0x10100];
	(pc) =	sbr.rel @p0 .LBB2_18-.Ltmp8, $4  }
0x177: {  	v16 =	vadd.f32 v22, v3;
	v28 =	vtrunc.f32 v18;
	v18 =	vcvt.f32.s32 v23;
	s23 =	sand.u32 $0x700, s19;
	s19 =	smov.u32 s21  }
0x178: {  	v9 =	vadd.s32 v19, v9;
	v10 =	vtrunc.f32 v10;
	v26 =	vsub.s32 v26, v27;
	v22 =	vld [tilespmem:s22+$0x8085];
	s22 =	sshrl.u32 s23, $0x2  }
0x179: {  	v11 =	vcvt.f32.s32 v10;
	v19 =	vsub.s32 v18, v24;
	v23 =	vmul.f32 v25, v4;
	v18 =	vld [tilespmem:s22+$0x10100]  }
0x17a: {  	s21 =	sadd.s32 $0x100, s21;
	v10 =	vcvt.f32.s32 v28;
	v19 =	vmul.u32 v19, v19;
	v24 =	vmul.u32 v26, v26  }
0x17b: {  	v14 =	vmul.f32 v14, v4;
	v23 =	vadd.f32 v23, v3;
	v15 =	vmul.f32 v15, v4  }
0x17c: {  	v17 =	vadd.f32 v17, v3;
	v16 =	vtrunc.f32 v16;
	v59 =	vcvt.s32.f32 v5  }
0x17d: {  	v20 =	vand.u32 v21, v20;
	v60 =	vcvt.s32.f32 v6;
	v46 =	vmul.f32 v22, v4  }
0x17e: {  	v54 =	vcvt.f32.s32 v16;
	v14 =	vadd.f32 v14, v3;
	v47 =	vtrunc.f32 v23  }
0x17f: {  	v15 =	vadd.f32 v15, v3;
	v17 =	vtrunc.f32 v17;
	v3 =	vadd.f32 v46, v3  }
0x180: {  	s20 =	sadd.s32 $0x40, s19;
	v13 =	vmul.u32 v13, v13;
	s22 =	sand.u32 $0x700, s19;
	v49 =	vcvt.f32.s32 v17;
	v51 =	vcvt.f32.s32 v47  }
0x181: {  	s23 =	sadd.s32 $0x80, s19;
	v48 =	vand.u32 v12, v24;
	s20 =	sand.u32 $0x740, s20;
	s24 =	sshrl.u32 s22, $0x2;
	v15 =	vtrunc.f32 v15;
	v3 =	vtrunc.f32 v3  }
0x182: {  	s21 =	sadd.s32 $0xC0, s19;
	s19 =	sand.u32 $0x780, s23;
	s20 =	sshrl.u32 s20, $0x2;
	v52 =	vld [tilespmem:s24+$0x10100];
	v8 =	vand.u32 v8, v13;
	v14 =	vtrunc.f32 v14;
	v3 =	vcvt.f32.s32 v3  }
0x183: {  	s21 =	sand.u32 $0x7C0, s21;
	s19 =	sshrl.u32 s19, $0x2;
	v50 =	vld [tilespmem:s20+$0x10100];
	v18 =	vand.u32 v18, v19;
	v15 =	vcvt.f32.s32 v15;
	v14 =	vcvt.f32.s32 v14  }
0x184: {  	s20 =	sshrl.u32 s21, $0x2;
	v56 =	vld [tilespmem:s19+$0x10100];
	v10 =	vsub.s32 v54, v10;
	v9 =	vadd.s32 v9, v18;
	v3 =	vsub.s32 v51, v3  }
0x185: {  	v53 =	vld [tilespmem:s20+$0x10100];
	v4 =	vadd.s32 v48, v9;
	v57 =	vsub.s32 v15, v14;
	v3 =	vmul.u32 v3, v3  }
0x186: {  	v55 =	vsub.s32 v11, v49;
	v4 =	vadd.s32 v20, v4;
	v12 =	vmul.u32 v57, v57  }
0x187: {  	v9 =	vmul.u32 v55, v55;
	v4 =	vadd.s32 v8, v4;
	v3 =	vand.u32 v52, v3  }
0x188: {  	v10 =	vmul.u32 v10, v10;
	v58 =	vand.u32 v50, v12;
	v3 =	vadd.s32 v4, v3  }
0x189: {  	v63 =	vcvt.s32.f32 v7;
	v61 =	vand.u32 v56, v9;
	v3 =	vadd.s32 v58, v3  }
0x18a: {  	v62 =	vand.u32 v53, v10;
	v4 =	vadd.f32 v60, v59;
	v3 =	vadd.s32 v61, v3  }
0x18b: {  	v3 =	vadd.s32 v62, v3  }
0x18c: {  	v4 =	vadd.f32 v63, v4;
	v3 =	vcvt.s32.f32 v3;
	_ =	sdelay $0x1  }
0x18d: {  	v3 =	vadd.f32 v3, v4;
	_ =	sdelay $0x1  }
0x18e: {  	(v2sf) =	vpush v3, $0x0  }
0x18f: {  	(v2sf) =	vpush v3, $0x1;
	_ =	sdelay $0x1  }
0x190: {  	(v2sf) =	vpush v3, $0x2;
	_ =	sdelay $0x1  }
0x191: {  	(v2sf) =	vpush v3, $0x3;
	_ =	sdelay $0x1  }
0x192: {  	(v2sf) =	vpush v3, $0x4;
	_ =	sdelay $0x1  }
0x193: {  	(v2sf) =	vpush v3, $0x5;
	_ =	sdelay $0x1  }
0x194: {  	(v2sf) =	vpush v3, $0x6;
	_ =	sdelay $0x1  }
0x195: {  	(v2sf) =	vpush v3, $0x7;
	_ =	sdelay $0x1  }
0x196: {  	s25 =	spop (v2sf);
	(v2sf) =	vpush v3, $0x8  }
0x197: {  	s26 =	spop (v2sf)  }
0x198: {  	(v2sf) =	vpush v3, $0x9;
	s19 =	sadd.f32 s26, s25  }
0x199: {  	s28 =	spop (v2sf)  }
0x19a: {  	(v2sf) =	vpush v3, $0xA;
	s19 =	sadd.f32 s19, s28  }
0x19b: {  	s29 =	spop (v2sf)  }
0x19c: {  	(v2sf) =	vpush v3, $0xB;
	s19 =	sadd.f32 s19, s29  }
0x19d: {  	s30 =	spop (v2sf)  }
0x19e: {  	(v2sf) =	vpush v3, $0xC;
	s19 =	sadd.f32 s19, s30  }
0x19f: {  	s31 =	spop (v2sf)  }
0x1a0: {  	(v2sf) =	vpush v3, $0xD;
	s19 =	sadd.f32 s19, s31  }
0x1a1: {  	s21 =	spop (v2sf)  }
0x1a2: {  	(v2sf) =	vpush v3, $0xE;
	s19 =	sadd.f32 s19, s21  }
0x1a3: {  	s22 =	spop (v2sf)  }
0x1a4: {  	(v2sf) =	vpush v3, $0xF;
	s19 =	sadd.f32 s19, s22  }
0x1a5: {  	s23 =	spop (v2sf)  }
0x1a6: {  	s19 =	sadd.f32 s19, s23  }
0x1a7: {  	s24 =	spop (v2sf)  }
0x1a8: {  	s19 =	sadd.f32 s19, s24  }
0x1a9: {  	s25 =	spop (v2sf)  }
0x1aa: {  	s19 =	sadd.f32 s19, s25  }
0x1ab: {  	s26 =	spop (v2sf)  }
0x1ac: {  	s19 =	sadd.f32 s19, s26  }
0x1ad: {  	s28 =	spop (v2sf)  }
0x1ae: {  	s19 =	sadd.f32 s19, s28  }
0x1af: {  	s29 =	spop (v2sf)  }
0x1b0: {  	s19 =	sadd.f32 s19, s29  }
0x1b1: {  	s30 =	spop (v2sf)  }
0x1b2: {  	s19 =	sadd.f32 s19, s30  }
0x1b3: {  	s31 =	spop (v2sf)  }
0x1b4: {  	s19 =	sadd.f32 s19, s31;
	_ =	sdelay $0x1  }
0x1b5: {  	s18 =	sadd.s32 $0x1, s18;
	v3 =	vmov s19  }
0x1b6: {  	p0 =	sne.s32 s18, s10;
	v3 =	vnsel vm0, $0x0, v3  }
.Ltmp9:
0x1b7: {  	[tilespmem:$0x10300] =	vst v3;
	(pc) =	sbr.rel @p0 .LBB2_1-.Ltmp9, $4  }
0x1b8: {  	[hbm4b:s9+s2] =	stream.linear.scatter [tilespmem:s17], [sflag:$0x3], $0x80, $0x38;
	[tilespmem:$0x10C00] =	vst v63  }
0x1b9: {  	_ =	swait.ge [sflag:s15], $0x80  }
0x1ba: {  	[sflag:s15] =	ssyncset.done $0x0  }
0x1bb: {  	[sflag:s15] =	ssyncadd.s32 $0xFFFFFF80  }
0x1bc: {  	_ =	sfence.sel $0x180000  }
0x1bd: {  	[bflag:$0x0] =	sbarrier.arrive $0xFFFF  }
0x1be: {  	p0 =	sne.s32 s1, $0x0;
	_ =	strace $0x90000047  }
0x1bf: {  	s0 =	sadd.s32 @!p0 $0x100000, s0;
	[bflag:$0x2] =	sbarrier.arrive $0xFFFF  }
0x1c0: {  	[sflag:s0] =	ssyncadd.tile.s32 @!p0 $0x1;
	_ =	shalt  }
.Lfunc_end2:
_tile_overlayer_lowered:
.L_overlay_start_2:
0x1c1: {  	(tag) =	ssettag $0x2  }
0x1c2: {  	s0 =	rddreg [dreg:$0x0];
	s2 =	stileid.u32  }
0x1c3: {  	s1 =	rddreg [dreg:$0x1];
	p0 =	sne.s32 s2, $0x0  }
0x1c4: {  	s3 =	rddreg [dreg:$0x2];
	[bflag:$0x3] =	sbarrier.arrive $0xFFFF;
	s2 =	simm.s32 @!p0 $0x1C03  }
0x1c5: {  	[timem:s3], [sflag:s2] =	dma.local @!p0 [hbm:s0], s1  }
0x1c6: {  	s0 =	simm.s32 @!p0 $0x3  }
0x1c7: {  	_ =	swait.ge @!p0 [sflag:s0], s1  }
0x1c8: {  	s1 =	ssub.s32 @!p0 $0x0, s1;
	[sflag:s0] =	ssyncset.done @!p0 $0x0  }
0x1c9: {  	[sflag:s0] =	ssyncadd.s32 @!p0 s1  }
0x1ca: {  	[bflag:$0x3] =	sbarrier.arrive $0xFFFF  }
0x1cb: {  	_ =	shalt  }

</sc_bundles>
